<compile_context>
chip_gen: v7x
topology: tpu7x:2x2x1
jax: 0.10.2.dev20260603
libtpu: 0.0.44.dev20260713+nightly
codegen_flags: <defaults>
</compile_context>

<pallas_src>
import jax
import jax.numpy as jnp
from jax import lax
from jax.experimental import pallas as pl
from jax.experimental.pallas import tpu as pltpu
from jax.experimental.pallas import tpu_sc as plsc

L = 16
NS = 16
B = 4096
D = 64
DP = 128
BPW = B // NS
CHUNK = 128
NCH = BPW // CHUNK
BR = 16384


def _transpose_body(tt_ref, nt_ref, tb_ref, nb_ref, o_ref, tbo_ref, nbo_ref):
    o_ref[...] = jnp.concatenate([tt_ref[...], nt_ref[...]], axis=0).T
    tbo_ref[...] = tb_ref[0, :]
    nbo_ref[...] = nb_ref[0, :]


def _relayout(tt, nt, tb2, nb2, num_rows):
    grid = (pl.cdiv(num_rows, BR),)
    return pl.pallas_call(
        _transpose_body,
        grid=grid,
        in_specs=[
            pl.BlockSpec((D, BR), lambda i: (0, i)),
            pl.BlockSpec((D, BR), lambda i: (0, i)),
            pl.BlockSpec((1, BR), lambda i: (0, i)),
            pl.BlockSpec((1, BR), lambda i: (0, i)),
        ],
        out_specs=[
            pl.BlockSpec((BR, DP), lambda i: (i, 0)),
            pl.BlockSpec((BR,), lambda i: (i,)),
            pl.BlockSpec((BR,), lambda i: (i,)),
        ],
        out_shape=[
            jax.ShapeDtypeStruct((num_rows, DP), jnp.float32),
            jax.ShapeDtypeStruct((num_rows,), jnp.float32),
            jax.ShapeDtypeStruct((num_rows,), jnp.float32),
        ],
        compiler_params=pltpu.CompilerParams(
            fuse_transposed_lhs_in_matmul=True,
            vmem_limit_bytes=100 * 1024 * 1024),
    )(tt, nt, tb2, nb2)


def _body(i0_hbm, i1_hbm, comb_hbm, tbias_hbm, nbias_hbm, out_hbm,
          idx0_v, idx1_v, gidx0_v, gidx1_v,
          rows_t, rows_n, bval_t, bval_n,
          acc_v, all_v, out_v, shared,
          sem_e, sem_b):
    sid = lax.axis_index("s")
    base = sid * NCH

    pltpu.sync_copy(i0_hbm.at[pl.ds(base, NCH)], idx0_v)
    pltpu.sync_copy(i1_hbm.at[pl.ds(base, NCH)], idx1_v)

    def gidx_step(j, _):
        sl = pl.ds(j * L, L)
        for k in range(NCH):
            gidx0_v[k, sl] = idx0_v[k, sl] * 2
            gidx1_v[k, sl] = idx1_v[k, sl] * 2 + 1
        return 0

    lax.fori_loop(0, CHUNK // L, gidx_step, 0)

    emb_cps = []
    for k in range(NCH):
        emb_cps.append(pltpu.async_copy(
            comb_hbm.at[gidx0_v.at[k]], rows_t.at[pl.ds(k * CHUNK, CHUNK)], sem_e))
        emb_cps.append(pltpu.async_copy(
            comb_hbm.at[gidx1_v.at[k]], rows_n.at[pl.ds(k * CHUNK, CHUNK)], sem_e))

    bias_cps = []
    for k in range(NCH):
        bias_cps.append(pltpu.async_copy(
            tbias_hbm.at[idx0_v.at[k]], bval_t.at[pl.ds(k * CHUNK, CHUNK)], sem_b))
        bias_cps.append(pltpu.async_copy(
            nbias_hbm.at[idx1_v.at[k]], bval_n.at[pl.ds(k * CHUNK, CHUNK)], sem_b))

    for cp in emb_cps:
        cp.wait()

    def dot_step(b, accs):
        a0, a1, a2, a3 = accs
        a0 = a0 + rows_t[b, pl.ds(0, L)] * rows_n[b, pl.ds(0, L)]
        a1 = a1 + rows_t[b, pl.ds(L, L)] * rows_n[b, pl.ds(L, L)]
        a2 = a2 + rows_t[b, pl.ds(2 * L, L)] * rows_n[b, pl.ds(2 * L, L)]
        a3 = a3 + rows_t[b, pl.ds(3 * L, L)] * rows_n[b, pl.ds(3 * L, L)]
        return a0, a1, a2, a3

    zeros = jnp.zeros((L,), jnp.float32)
    a0, a1, a2, a3 = lax.fori_loop(0, BPW, dot_step, (zeros, zeros, zeros, zeros))
    acc = (a0 + a1) + (a2 + a3)

    acc_v[...] = acc
    pltpu.sync_copy(acc_v, shared.at[pl.ds(sid * L, L)])
    plsc.subcore_barrier()
    pltpu.sync_copy(shared, all_v)
    s = lax.fori_loop(
        1, NS, lambda r, a: a + all_v[pl.ds(r * L, L)], all_v[pl.ds(0, L)])
    lanes = jnp.arange(L, dtype=jnp.int32)
    for off in (8, 4, 2, 1):
        perm = jnp.bitwise_xor(lanes, off)
        s = s + s.at[perm].get(mode="promise_in_bounds")
    big_s = s

    for cp in bias_cps:
        cp.wait()

    def out_step(j, _):
        sl = pl.ds(j * L, L)
        x = big_s + bval_t[sl] + bval_n[sl]
        out_v[sl] = 1.0 / (1.0 + jnp.exp(-x))
        return 0

    lax.fori_loop(0, BPW // L, out_step, 0)

    pltpu.sync_copy(out_v, out_hbm.at[pl.ds(sid * BPW, BPW)])


def kernel(inputs, track_embedding, name_embedding, track_bias, name_bias):
    num_track = track_embedding.shape[0]
    i0 = inputs[:, 0].reshape(B // CHUNK, CHUNK)
    i1 = inputs[:, 1].reshape(B // CHUNK, CHUNK)
    comb, tb, nb = _relayout(
        track_embedding.T, name_embedding.T,
        track_bias.T, name_bias.T, num_track)
    comb = comb.reshape(2 * num_track, D)

    mesh = plsc.VectorSubcoreMesh(
        core_axis_name="c", subcore_axis_name="s", num_cores=1)
    run = pl.kernel(
        _body,
        out_type=jax.ShapeDtypeStruct((B,), jnp.float32),
        mesh=mesh,
        compiler_params=pltpu.CompilerParams(use_tc_tiling_on_sc=False),
        scratch_types=[
            pltpu.VMEM((NCH, CHUNK), jnp.int32),
            pltpu.VMEM((NCH, CHUNK), jnp.int32),
            pltpu.VMEM((NCH, CHUNK), jnp.int32),
            pltpu.VMEM((NCH, CHUNK), jnp.int32),
            pltpu.VMEM((BPW, D), jnp.float32),
            pltpu.VMEM((BPW, D), jnp.float32),
            pltpu.VMEM((BPW,), jnp.float32),
            pltpu.VMEM((BPW,), jnp.float32),
            pltpu.VMEM((L,), jnp.float32),
            pltpu.VMEM((NS * L,), jnp.float32),
            pltpu.VMEM((BPW,), jnp.float32),
            pltpu.VMEM_SHARED((NS * L,), jnp.float32),
            pltpu.SemaphoreType.DMA,
            pltpu.SemaphoreType.DMA,
        ],
    )
    out = run(i0, i1, comb, tb, nb)
    return out.reshape(B, 1)

# --- scband reference (transcript-rebuilt; emitter-appended) ---
"""Pipeline reference for scband-recommender-net-34634616275283 (READ-ONLY COPY).

The authoritative reference and input builder live on the scoring server;
editing this copy changes nothing except your own understanding.
"""

import jax, jax.numpy as jnp
import numpy as np

NUM_TRACK = 100000
NUM_NAME = 100000
EMBED = 64
BATCH = 4096

def setup_inputs(seed: int = 0) -> dict:
    key = jax.random.key(seed)
    k1, k2, k3, k4, k5 = jax.random.split(key, 5)
    inputs = jax.random.randint(k1, (BATCH, 2), 0, NUM_TRACK, dtype=jnp.int32)
    track_embedding = jax.random.normal(k2, (NUM_TRACK, EMBED), dtype=jnp.float32) * 0.05
    name_embedding = jax.random.normal(k3, (NUM_NAME, EMBED), dtype=jnp.float32) * 0.05
    track_bias = jax.random.normal(k4, (NUM_TRACK, 1), dtype=jnp.float32) * 0.05
    name_bias = jax.random.normal(k5, (NUM_NAME, 1), dtype=jnp.float32) * 0.05
    return {"inputs": inputs, "track_embedding": track_embedding, "name_embedding": name_embedding, "track_bias": track_bias, "name_bias": name_bias}


def reference(inputs, track_embedding, name_embedding, track_bias, name_bias):
    # Faithful translation of RecommenderNet.call
    track_vector = jnp.take(track_embedding, inputs[:, 0], axis=0)   # [B, D]
    track_b = jnp.take(track_bias, inputs[:, 0], axis=0)             # [B, 1]
    name_vector = jnp.take(name_embedding, inputs[:, 1], axis=0)     # [B, D]
    name_b = jnp.take(name_bias, inputs[:, 1], axis=0)               # [B, 1]
    # tf.tensordot(a, b, 2) on rank-2 tensors contracts BOTH axes -> scalar
    dot_track_name = jnp.tensordot(track_vector, name_vector, 2)     # scalar
    x = dot_track_name + track_b + name_b                            # [B, 1]
    return jax.nn.sigmoid(x)

if __name__ == "__main__":
    import jax
    _d = setup_inputs()
    print(jax.jit(kernel)(*tuple(_d.values())))

</pallas_src>

<mosaic_0001>
#map = affine_map<(d0, d1) -> (0, 0)>
#map1 = affine_map<(d0, d1) -> (0)>
module attributes {stable_mosaic.version = 14 : i64} {
  func.func @_body(%arg0: i32, %arg1: i32, %arg2: memref<32x128xi32, #tpu.memory_space<hbm>>, %arg3: memref<32x128xi32, #tpu.memory_space<hbm>>, %arg4: memref<200000x64xf32, #tpu.memory_space<hbm>>, %arg5: memref<100000xf32, #tpu.memory_space<hbm>>, %arg6: memref<100000xf32, #tpu.memory_space<hbm>>, %arg7: memref<4096xf32, #tpu.memory_space<hbm>>, %arg8: memref<2x128xi32, #tpu.memory_space<vmem>>, %arg9: memref<2x128xi32, #tpu.memory_space<vmem>>, %arg10: memref<2x128xi32, #tpu.memory_space<vmem>>, %arg11: memref<2x128xi32, #tpu.memory_space<vmem>>, %arg12: memref<256x64xf32, #tpu.memory_space<vmem>>, %arg13: memref<256x64xf32, #tpu.memory_space<vmem>>, %arg14: memref<256xf32, #tpu.memory_space<vmem>>, %arg15: memref<256xf32, #tpu.memory_space<vmem>>, %arg16: memref<16xf32, #tpu.memory_space<vmem>>, %arg17: memref<256xf32, #tpu.memory_space<vmem>>, %arg18: memref<256xf32, #tpu.memory_space<vmem>>, %arg19: memref<256xf32, #tpu.memory_space<vmem_shared>>, %arg20: memref<!tpu.dma_semaphore, #tpu.memory_space<semaphore_mem>>, %arg21: memref<!tpu.dma_semaphore, #tpu.memory_space<semaphore_mem>>) attributes {dimension_semantics = [#tpu.dimension_semantics<core_parallel>, #tpu.dimension_semantics<subcore_parallel>], iteration_bounds = array<i64: 1, 16>, scalar_prefetch = 0 : i64, scratch_operands = 14 : i64, tpu.core_type = #tpu.core_type<sc_vector_subcore>, window_params = [{transform_indices = #map}, {transform_indices = #map}, {transform_indices = #map}, {transform_indices = #map1}, {transform_indices = #map1}, {transform_indices = #map1}]} {
    %mul3A = arith.constant 2 : i32
    %mul3A_0 = arith.muli %arg1, %mul3A : i32
    "tpu.region"() ({
      %run_scoped3A = tpu.sem_alloc : memref<!tpu.dma_semaphore, #tpu.memory_space<semaphore_mem>>
      %dma_start3A_232 = arith.constant 0 : i32
      %dma_start3A_233 = tpu.memref_slice %arg2[%mul3A_0, %dma_start3A_232] : memref<32x128xi32, #tpu.memory_space<hbm>> -> memref<2x128xi32, #tpu.memory_space<hbm>>
      %dma_start3A_234 = arith.constant 0 : i32
      %dma_start3A_235 = tpu.memref_slice %arg2[%mul3A_0, %dma_start3A_234] : memref<32x128xi32, #tpu.memory_space<hbm>> -> memref<2x128xi32, #tpu.memory_space<hbm>>
      tpu.enqueue_dma source(%dma_start3A_235 : memref<2x128xi32, #tpu.memory_space<hbm>>) target(%arg8 : memref<2x128xi32, #tpu.memory_space<vmem>>) target_semaphore(%run_scoped3A : memref<!tpu.dma_semaphore, #tpu.memory_space<semaphore_mem>>)
      %dma_wait3A_236 = arith.constant 0 : i32
      %dma_wait3A_237 = tpu.memref_slice %arg2[%mul3A_0, %dma_wait3A_236] : memref<32x128xi32, #tpu.memory_space<hbm>> -> memref<2x128xi32, #tpu.memory_space<hbm>>
      %dma_wait3A_238 = arith.constant 0 : i32
      %dma_wait3A_239 = tpu.memref_slice %arg2[%mul3A_0, %dma_wait3A_238] : memref<32x128xi32, #tpu.memory_space<hbm>> -> memref<2x128xi32, #tpu.memory_space<hbm>>
      tpu.wait_dma2 semaphore(%run_scoped3A : memref<!tpu.dma_semaphore, #tpu.memory_space<semaphore_mem>>) src(%dma_wait3A_239 : memref<2x128xi32, #tpu.memory_space<hbm>>) dst(%arg8 : memref<2x128xi32, #tpu.memory_space<vmem>>)
      tpu.yield
    }) : () -> ()
    "tpu.region"() ({
      %run_scoped3A = tpu.sem_alloc : memref<!tpu.dma_semaphore, #tpu.memory_space<semaphore_mem>>
      %dma_start3A_232 = arith.constant 0 : i32
      %dma_start3A_233 = tpu.memref_slice %arg3[%mul3A_0, %dma_start3A_232] : memref<32x128xi32, #tpu.memory_space<hbm>> -> memref<2x128xi32, #tpu.memory_space<hbm>>
      %dma_start3A_234 = arith.constant 0 : i32
      %dma_start3A_235 = tpu.memref_slice %arg3[%mul3A_0, %dma_start3A_234] : memref<32x128xi32, #tpu.memory_space<hbm>> -> memref<2x128xi32, #tpu.memory_space<hbm>>
      tpu.enqueue_dma source(%dma_start3A_235 : memref<2x128xi32, #tpu.memory_space<hbm>>) target(%arg9 : memref<2x128xi32, #tpu.memory_space<vmem>>) target_semaphore(%run_scoped3A : memref<!tpu.dma_semaphore, #tpu.memory_space<semaphore_mem>>)
      %dma_wait3A_236 = arith.constant 0 : i32
      %dma_wait3A_237 = tpu.memref_slice %arg3[%mul3A_0, %dma_wait3A_236] : memref<32x128xi32, #tpu.memory_space<hbm>> -> memref<2x128xi32, #tpu.memory_space<hbm>>
      %dma_wait3A_238 = arith.constant 0 : i32
      %dma_wait3A_239 = tpu.memref_slice %arg3[%mul3A_0, %dma_wait3A_238] : memref<32x128xi32, #tpu.memory_space<hbm>> -> memref<2x128xi32, #tpu.memory_space<hbm>>
      tpu.wait_dma2 semaphore(%run_scoped3A : memref<!tpu.dma_semaphore, #tpu.memory_space<semaphore_mem>>) src(%dma_wait3A_239 : memref<2x128xi32, #tpu.memory_space<hbm>>) dst(%arg9 : memref<2x128xi32, #tpu.memory_space<vmem>>)
      tpu.yield
    }) : () -> ()
    %scan3A = arith.constant 0 : i32
    %scan3A_1 = arith.constant 0 : i32
    %scan3A_2 = arith.constant 8 : i32
    %scan3A_3 = arith.addi %scan3A_1, %scan3A_2 : i32
    %scan3A_4 = arith.constant 1 : i32
    %scan3A_5 = scf.for %scan3A_232 = %scan3A_1 to %scan3A_3 step %scan3A_4 iter_args(%scan3A_233 = %scan3A) -> (i32)  : i32 {
      %mul3A_234 = arith.constant 16 : i32
      %mul3A_235 = arith.muli %scan3A_232, %mul3A_234 : i32
      %get3A_236 = arith.constant 0 : i32
      %get3A_237 = arith.index_cast %get3A_236 : i32 to index
      %get3A_238 = arith.index_cast %mul3A_235 : i32 to index
      %get3A_239 = tpu.vector_load %arg8[%get3A_237, %get3A_238] {strides = array<i32>} : memref<2x128xi32, #tpu.memory_space<vmem>>, vector<1x16xi32>,
      %get3A_240 = vector.shape_cast %get3A_239 : vector<1x16xi32> to vector<16xi32>
      %mul3A_241 = arith.constant 2 : i32
      %mul3A_242 = vector.broadcast %mul3A_241 : i32 to vector<16xi32>
      %mul3A_243 = arith.muli %get3A_240, %mul3A_242 : vector<16xi32>
      %swap3A_244 = arith.constant 0 : i32
      %swap3A_245 = arith.index_cast %swap3A_244 : i32 to index
      %swap3A_246 = arith.index_cast %mul3A_235 : i32 to index
      %swap3A_247 = tpu.vector_load %arg10[%swap3A_245, %swap3A_246] {strides = array<i32>} : memref<2x128xi32, #tpu.memory_space<vmem>>, vector<1x16xi32>,
      %swap3A_248 = vector.shape_cast %swap3A_247 : vector<1x16xi32> to vector<16xi32>
      %swap3A_249 = vector.shape_cast %mul3A_243 : vector<16xi32> to vector<1x16xi32>
      tpu.vector_store %arg10[%swap3A_245, %swap3A_246], %swap3A_249 {strides = array<i32>} : memref<2x128xi32, #tpu.memory_space<vmem>>, vector<1x16xi32>,
      %get3A_250 = arith.constant 0 : i32
      %get3A_251 = arith.index_cast %get3A_250 : i32 to index
      %get3A_252 = arith.index_cast %mul3A_235 : i32 to index
      %get3A_253 = tpu.vector_load %arg9[%get3A_251, %get3A_252] {strides = array<i32>} : memref<2x128xi32, #tpu.memory_space<vmem>>, vector<1x16xi32>,
      %get3A_254 = vector.shape_cast %get3A_253 : vector<1x16xi32> to vector<16xi32>
      %mul3A_255 = arith.constant 2 : i32
      %mul3A_256 = vector.broadcast %mul3A_255 : i32 to vector<16xi32>
      %mul3A_257 = arith.muli %get3A_254, %mul3A_256 : vector<16xi32>
      %add3A_258 = arith.constant 1 : i32
      %add3A_259 = vector.broadcast %add3A_258 : i32 to vector<16xi32>
      %add3A_260 = arith.addi %mul3A_257, %add3A_259 : vector<16xi32>
      %swap3A_261 = arith.constant 0 : i32
      %swap3A_262 = arith.index_cast %swap3A_261 : i32 to index
      %swap3A_263 = arith.index_cast %mul3A_235 : i32 to index
      %swap3A_264 = tpu.vector_load %arg11[%swap3A_262, %swap3A_263] {strides = array<i32>} : memref<2x128xi32, #tpu.memory_space<vmem>>, vector<1x16xi32>,
      %swap3A_265 = vector.shape_cast %swap3A_264 : vector<1x16xi32> to vector<16xi32>
      %swap3A_266 = vector.shape_cast %add3A_260 : vector<16xi32> to vector<1x16xi32>
      tpu.vector_store %arg11[%swap3A_262, %swap3A_263], %swap3A_266 {strides = array<i32>} : memref<2x128xi32, #tpu.memory_space<vmem>>, vector<1x16xi32>,
      %get3A_267 = arith.constant 1 : i32
      %get3A_268 = arith.index_cast %get3A_267 : i32 to index
      %get3A_269 = arith.index_cast %mul3A_235 : i32 to index
      %get3A_270 = tpu.vector_load %arg8[%get3A_268, %get3A_269] {strides = array<i32>} : memref<2x128xi32, #tpu.memory_space<vmem>>, vector<1x16xi32>,
      %get3A_271 = vector.shape_cast %get3A_270 : vector<1x16xi32> to vector<16xi32>
      %mul3A_272 = arith.constant 2 : i32
      %mul3A_273 = vector.broadcast %mul3A_272 : i32 to vector<16xi32>
      %mul3A_274 = arith.muli %get3A_271, %mul3A_273 : vector<16xi32>
      %swap3A_275 = arith.constant 1 : i32
      %swap3A_276 = arith.index_cast %swap3A_275 : i32 to index
      %swap3A_277 = arith.index_cast %mul3A_235 : i32 to index
      %swap3A_278 = tpu.vector_load %arg10[%swap3A_276, %swap3A_277] {strides = array<i32>} : memref<2x128xi32, #tpu.memory_space<vmem>>, vector<1x16xi32>,
      %swap3A_279 = vector.shape_cast %swap3A_278 : vector<1x16xi32> to vector<16xi32>
      %swap3A_280 = vector.shape_cast %mul3A_274 : vector<16xi32> to vector<1x16xi32>
      tpu.vector_store %arg10[%swap3A_276, %swap3A_277], %swap3A_280 {strides = array<i32>} : memref<2x128xi32, #tpu.memory_space<vmem>>, vector<1x16xi32>,
      %get3A_281 = arith.constant 1 : i32
      %get3A_282 = arith.index_cast %get3A_281 : i32 to index
      %get3A_283 = arith.index_cast %mul3A_235 : i32 to index
      %get3A_284 = tpu.vector_load %arg9[%get3A_282, %get3A_283] {strides = array<i32>} : memref<2x128xi32, #tpu.memory_space<vmem>>, vector<1x16xi32>,
      %get3A_285 = vector.shape_cast %get3A_284 : vector<1x16xi32> to vector<16xi32>
      %mul3A_286 = arith.constant 2 : i32
      %mul3A_287 = vector.broadcast %mul3A_286 : i32 to vector<16xi32>
      %mul3A_288 = arith.muli %get3A_285, %mul3A_287 : vector<16xi32>
      %add3A_289 = arith.constant 1 : i32
      %add3A_290 = vector.broadcast %add3A_289 : i32 to vector<16xi32>
      %add3A_291 = arith.addi %mul3A_288, %add3A_290 : vector<16xi32>
      %swap3A_292 = arith.constant 1 : i32
      %swap3A_293 = arith.index_cast %swap3A_292 : i32 to index
      %swap3A_294 = arith.index_cast %mul3A_235 : i32 to index
      %swap3A_295 = tpu.vector_load %arg11[%swap3A_293, %swap3A_294] {strides = array<i32>} : memref<2x128xi32, #tpu.memory_space<vmem>>, vector<1x16xi32>,
      %swap3A_296 = vector.shape_cast %swap3A_295 : vector<1x16xi32> to vector<16xi32>
      %swap3A_297 = vector.shape_cast %add3A_291 : vector<16xi32> to vector<1x16xi32>
      tpu.vector_store %arg11[%swap3A_293, %swap3A_294], %swap3A_297 {strides = array<i32>} : memref<2x128xi32, #tpu.memory_space<vmem>>, vector<1x16xi32>,
      %scan3A_298 = arith.constant 0 : i32
      scf.yield %scan3A_298 : i32
    }
    %scan3A_6 = arith.constant 8 : i32
    %dma_start3A = arith.constant 0 : i32
    %dma_start3A_7 = arith.constant 0 : i32
    %dma_start3A_8 = arith.constant 0 : i32
    %dma_start3A_9 = tpu.memref_slice %arg12[%dma_start3A_7, %dma_start3A_8] : memref<256x64xf32, #tpu.memory_space<vmem>> -> memref<128x64xf32, #tpu.memory_space<vmem>>
    %dma_start3A_10 = arith.constant 0 : i32
    %dma_start3A_11 = tpu.memref_slice %arg10[%dma_start3A, %dma_start3A_10] : memref<2x128xi32, #tpu.memory_space<vmem>> -> memref<1x128xi32, #tpu.memory_space<vmem>>
    %dma_start3A_12 = tpu.memref_squeeze %dma_start3A_11 : memref<1x128xi32, #tpu.memory_space<vmem>> -> memref<128xi32, #tpu.memory_space<vmem>>
    %dma_start3A_13 = arith.constant 0 : i32
    %dma_start3A_14 = arith.constant 0 : i32
    %dma_start3A_15 = tpu.memref_slice %arg4[%dma_start3A_13, %dma_start3A_14] : memref<200000x64xf32, #tpu.memory_space<hbm>> -> memref<200000x64xf32, #tpu.memory_space<hbm>>
    tpu.enqueue_indirect_dma source(%dma_start3A_15 : memref<200000x64xf32, #tpu.memory_space<hbm>>) target(%dma_start3A_9 : memref<128x64xf32, #tpu.memory_space<vmem>>) offsets(%dma_start3A_12 : memref<128xi32, #tpu.memory_space<vmem>>) semaphore(%arg20 : memref<!tpu.dma_semaphore, #tpu.memory_space<semaphore_mem>>)
    %dma_start3A_16 = arith.constant 0 : i32
    %dma_start3A_17 = arith.constant 0 : i32
    %dma_start3A_18 = arith.constant 0 : i32
    %dma_start3A_19 = tpu.memref_slice %arg13[%dma_start3A_17, %dma_start3A_18] : memref<256x64xf32, #tpu.memory_space<vmem>> -> memref<128x64xf32, #tpu.memory_space<vmem>>
    %dma_start3A_20 = arith.constant 0 : i32
    %dma_start3A_21 = tpu.memref_slice %arg11[%dma_start3A_16, %dma_start3A_20] : memref<2x128xi32, #tpu.memory_space<vmem>> -> memref<1x128xi32, #tpu.memory_space<vmem>>
    %dma_start3A_22 = tpu.memref_squeeze %dma_start3A_21 : memref<1x128xi32, #tpu.memory_space<vmem>> -> memref<128xi32, #tpu.memory_space<vmem>>
    %dma_start3A_23 = arith.constant 0 : i32
    %dma_start3A_24 = arith.constant 0 : i32
    %dma_start3A_25 = tpu.memref_slice %arg4[%dma_start3A_23, %dma_start3A_24] : memref<200000x64xf32, #tpu.memory_space<hbm>> -> memref<200000x64xf32, #tpu.memory_space<hbm>>
    tpu.enqueue_indirect_dma source(%dma_start3A_25 : memref<200000x64xf32, #tpu.memory_space<hbm>>) target(%dma_start3A_19 : memref<128x64xf32, #tpu.memory_space<vmem>>) offsets(%dma_start3A_22 : memref<128xi32, #tpu.memory_space<vmem>>) semaphore(%arg20 : memref<!tpu.dma_semaphore, #tpu.memory_space<semaphore_mem>>)
    %dma_start3A_26 = arith.constant 1 : i32
    %dma_start3A_27 = arith.constant 128 : i32
    %dma_start3A_28 = arith.constant 0 : i32
    %dma_start3A_29 = tpu.memref_slice %arg12[%dma_start3A_27, %dma_start3A_28] : memref<256x64xf32, #tpu.memory_space<vmem>> -> memref<128x64xf32, #tpu.memory_space<vmem>>
    %dma_start3A_30 = arith.constant 0 : i32
    %dma_start3A_31 = tpu.memref_slice %arg10[%dma_start3A_26, %dma_start3A_30] : memref<2x128xi32, #tpu.memory_space<vmem>> -> memref<1x128xi32, #tpu.memory_space<vmem>>
    %dma_start3A_32 = tpu.memref_squeeze %dma_start3A_31 : memref<1x128xi32, #tpu.memory_space<vmem>> -> memref<128xi32, #tpu.memory_space<vmem>>
    %dma_start3A_33 = arith.constant 0 : i32
    %dma_start3A_34 = arith.constant 0 : i32
    %dma_start3A_35 = tpu.memref_slice %arg4[%dma_start3A_33, %dma_start3A_34] : memref<200000x64xf32, #tpu.memory_space<hbm>> -> memref<200000x64xf32, #tpu.memory_space<hbm>>
    tpu.enqueue_indirect_dma source(%dma_start3A_35 : memref<200000x64xf32, #tpu.memory_space<hbm>>) target(%dma_start3A_29 : memref<128x64xf32, #tpu.memory_space<vmem>>) offsets(%dma_start3A_32 : memref<128xi32, #tpu.memory_space<vmem>>) semaphore(%arg20 : memref<!tpu.dma_semaphore, #tpu.memory_space<semaphore_mem>>)
    %dma_start3A_36 = arith.constant 1 : i32
    %dma_start3A_37 = arith.constant 128 : i32
    %dma_start3A_38 = arith.constant 0 : i32
    %dma_start3A_39 = tpu.memref_slice %arg13[%dma_start3A_37, %dma_start3A_38] : memref<256x64xf32, #tpu.memory_space<vmem>> -> memref<128x64xf32, #tpu.memory_space<vmem>>
    %dma_start3A_40 = arith.constant 0 : i32
    %dma_start3A_41 = tpu.memref_slice %arg11[%dma_start3A_36, %dma_start3A_40] : memref<2x128xi32, #tpu.memory_space<vmem>> -> memref<1x128xi32, #tpu.memory_space<vmem>>
    %dma_start3A_42 = tpu.memref_squeeze %dma_start3A_41 : memref<1x128xi32, #tpu.memory_space<vmem>> -> memref<128xi32, #tpu.memory_space<vmem>>
    %dma_start3A_43 = arith.constant 0 : i32
    %dma_start3A_44 = arith.constant 0 : i32
    %dma_start3A_45 = tpu.memref_slice %arg4[%dma_start3A_43, %dma_start3A_44] : memref<200000x64xf32, #tpu.memory_space<hbm>> -> memref<200000x64xf32, #tpu.memory_space<hbm>>
    tpu.enqueue_indirect_dma source(%dma_start3A_45 : memref<200000x64xf32, #tpu.memory_space<hbm>>) target(%dma_start3A_39 : memref<128x64xf32, #tpu.memory_space<vmem>>) offsets(%dma_start3A_42 : memref<128xi32, #tpu.memory_space<vmem>>) semaphore(%arg20 : memref<!tpu.dma_semaphore, #tpu.memory_space<semaphore_mem>>)
    %dma_start3A_46 = arith.constant 0 : i32
    %dma_start3A_47 = arith.constant 0 : i32
    %dma_start3A_48 = tpu.memref_slice %arg14[%dma_start3A_47] : memref<256xf32, #tpu.memory_space<vmem>> -> memref<128xf32, #tpu.memory_space<vmem>>
    %dma_start3A_49 = arith.constant 0 : i32
    %dma_start3A_50 = tpu.memref_slice %arg8[%dma_start3A_46, %dma_start3A_49] : memref<2x128xi32, #tpu.memory_space<vmem>> -> memref<1x128xi32, #tpu.memory_space<vmem>>
    %dma_start3A_51 = tpu.memref_squeeze %dma_start3A_50 : memref<1x128xi32, #tpu.memory_space<vmem>> -> memref<128xi32, #tpu.memory_space<vmem>>
    %dma_start3A_52 = arith.constant 0 : i32
    %dma_start3A_53 = tpu.memref_slice %arg5[%dma_start3A_52] : memref<100000xf32, #tpu.memory_space<hbm>> -> memref<100000xf32, #tpu.memory_space<hbm>>
    tpu.enqueue_indirect_dma source(%dma_start3A_53 : memref<100000xf32, #tpu.memory_space<hbm>>) target(%dma_start3A_48 : memref<128xf32, #tpu.memory_space<vmem>>) offsets(%dma_start3A_51 : memref<128xi32, #tpu.memory_space<vmem>>) semaphore(%arg21 : memref<!tpu.dma_semaphore, #tpu.memory_space<semaphore_mem>>)
    %dma_start3A_54 = arith.constant 0 : i32
    %dma_start3A_55 = arith.constant 0 : i32
    %dma_start3A_56 = tpu.memref_slice %arg15[%dma_start3A_55] : memref<256xf32, #tpu.memory_space<vmem>> -> memref<128xf32, #tpu.memory_space<vmem>>
    %dma_start3A_57 = arith.constant 0 : i32
    %dma_start3A_58 = tpu.memref_slice %arg9[%dma_start3A_54, %dma_start3A_57] : memref<2x128xi32, #tpu.memory_space<vmem>> -> memref<1x128xi32, #tpu.memory_space<vmem>>
    %dma_start3A_59 = tpu.memref_squeeze %dma_start3A_58 : memref<1x128xi32, #tpu.memory_space<vmem>> -> memref<128xi32, #tpu.memory_space<vmem>>
    %dma_start3A_60 = arith.constant 0 : i32
    %dma_start3A_61 = tpu.memref_slice %arg6[%dma_start3A_60] : memref<100000xf32, #tpu.memory_space<hbm>> -> memref<100000xf32, #tpu.memory_space<hbm>>
    tpu.enqueue_indirect_dma source(%dma_start3A_61 : memref<100000xf32, #tpu.memory_space<hbm>>) target(%dma_start3A_56 : memref<128xf32, #tpu.memory_space<vmem>>) offsets(%dma_start3A_59 : memref<128xi32, #tpu.memory_space<vmem>>) semaphore(%arg21 : memref<!tpu.dma_semaphore, #tpu.memory_space<semaphore_mem>>)
    %dma_start3A_62 = arith.constant 1 : i32
    %dma_start3A_63 = arith.constant 128 : i32
    %dma_start3A_64 = tpu.memref_slice %arg14[%dma_start3A_63] : memref<256xf32, #tpu.memory_space<vmem>> -> memref<128xf32, #tpu.memory_space<vmem>>
    %dma_start3A_65 = arith.constant 0 : i32
    %dma_start3A_66 = tpu.memref_slice %arg8[%dma_start3A_62, %dma_start3A_65] : memref<2x128xi32, #tpu.memory_space<vmem>> -> memref<1x128xi32, #tpu.memory_space<vmem>>
    %dma_start3A_67 = tpu.memref_squeeze %dma_start3A_66 : memref<1x128xi32, #tpu.memory_space<vmem>> -> memref<128xi32, #tpu.memory_space<vmem>>
    %dma_start3A_68 = arith.constant 0 : i32
    %dma_start3A_69 = tpu.memref_slice %arg5[%dma_start3A_68] : memref<100000xf32, #tpu.memory_space<hbm>> -> memref<100000xf32, #tpu.memory_space<hbm>>
    tpu.enqueue_indirect_dma source(%dma_start3A_69 : memref<100000xf32, #tpu.memory_space<hbm>>) target(%dma_start3A_64 : memref<128xf32, #tpu.memory_space<vmem>>) offsets(%dma_start3A_67 : memref<128xi32, #tpu.memory_space<vmem>>) semaphore(%arg21 : memref<!tpu.dma_semaphore, #tpu.memory_space<semaphore_mem>>)
    %dma_start3A_70 = arith.constant 1 : i32
    %dma_start3A_71 = arith.constant 128 : i32
    %dma_start3A_72 = tpu.memref_slice %arg15[%dma_start3A_71] : memref<256xf32, #tpu.memory_space<vmem>> -> memref<128xf32, #tpu.memory_space<vmem>>
    %dma_start3A_73 = arith.constant 0 : i32
    %dma_start3A_74 = tpu.memref_slice %arg9[%dma_start3A_70, %dma_start3A_73] : memref<2x128xi32, #tpu.memory_space<vmem>> -> memref<1x128xi32, #tpu.memory_space<vmem>>
    %dma_start3A_75 = tpu.memref_squeeze %dma_start3A_74 : memref<1x128xi32, #tpu.memory_space<vmem>> -> memref<128xi32, #tpu.memory_space<vmem>>
    %dma_start3A_76 = arith.constant 0 : i32
    %dma_start3A_77 = tpu.memref_slice %arg6[%dma_start3A_76] : memref<100000xf32, #tpu.memory_space<hbm>> -> memref<100000xf32, #tpu.memory_space<hbm>>
    tpu.enqueue_indirect_dma source(%dma_start3A_77 : memref<100000xf32, #tpu.memory_space<hbm>>) target(%dma_start3A_72 : memref<128xf32, #tpu.memory_space<vmem>>) offsets(%dma_start3A_75 : memref<128xi32, #tpu.memory_space<vmem>>) semaphore(%arg21 : memref<!tpu.dma_semaphore, #tpu.memory_space<semaphore_mem>>)
    %dma_wait3A = arith.constant 0 : i32
    %dma_wait3A_78 = arith.constant 0 : i32
    %dma_wait3A_79 = arith.constant 0 : i32
    %dma_wait3A_80 = tpu.memref_slice %arg12[%dma_wait3A_78, %dma_wait3A_79] : memref<256x64xf32, #tpu.memory_space<vmem>> -> memref<128x64xf32, #tpu.memory_space<vmem>>
    %dma_wait3A_81 = arith.constant 0 : i32
    %dma_wait3A_82 = tpu.memref_slice %arg10[%dma_wait3A, %dma_wait3A_81] : memref<2x128xi32, #tpu.memory_space<vmem>> -> memref<1x128xi32, #tpu.memory_space<vmem>>
    %dma_wait3A_83 = tpu.memref_squeeze %dma_wait3A_82 : memref<1x128xi32, #tpu.memory_space<vmem>> -> memref<128xi32, #tpu.memory_space<vmem>>
    %dma_wait3A_84 = arith.constant 0 : i32
    %dma_wait3A_85 = arith.constant 0 : i32
    %dma_wait3A_86 = tpu.memref_slice %arg4[%dma_wait3A_84, %dma_wait3A_85] : memref<200000x64xf32, #tpu.memory_space<hbm>> -> memref<200000x64xf32, #tpu.memory_space<hbm>>
    tpu.wait_indirect_dma semaphore(%arg20 : memref<!tpu.dma_semaphore, #tpu.memory_space<semaphore_mem>>) src(%dma_wait3A_86 : memref<200000x64xf32, #tpu.memory_space<hbm>>) dst(%dma_wait3A_80 : memref<128x64xf32, #tpu.memory_space<vmem>>)
    %dma_wait3A_87 = arith.constant 0 : i32
    %dma_wait3A_88 = arith.constant 0 : i32
    %dma_wait3A_89 = arith.constant 0 : i32
    %dma_wait3A_90 = tpu.memref_slice %arg13[%dma_wait3A_88, %dma_wait3A_89] : memref<256x64xf32, #tpu.memory_space<vmem>> -> memref<128x64xf32, #tpu.memory_space<vmem>>
    %dma_wait3A_91 = arith.constant 0 : i32
    %dma_wait3A_92 = tpu.memref_slice %arg11[%dma_wait3A_87, %dma_wait3A_91] : memref<2x128xi32, #tpu.memory_space<vmem>> -> memref<1x128xi32, #tpu.memory_space<vmem>>
    %dma_wait3A_93 = tpu.memref_squeeze %dma_wait3A_92 : memref<1x128xi32, #tpu.memory_space<vmem>> -> memref<128xi32, #tpu.memory_space<vmem>>
    %dma_wait3A_94 = arith.constant 0 : i32
    %dma_wait3A_95 = arith.constant 0 : i32
    %dma_wait3A_96 = tpu.memref_slice %arg4[%dma_wait3A_94, %dma_wait3A_95] : memref<200000x64xf32, #tpu.memory_space<hbm>> -> memref<200000x64xf32, #tpu.memory_space<hbm>>
    tpu.wait_indirect_dma semaphore(%arg20 : memref<!tpu.dma_semaphore, #tpu.memory_space<semaphore_mem>>) src(%dma_wait3A_96 : memref<200000x64xf32, #tpu.memory_space<hbm>>) dst(%dma_wait3A_90 : memref<128x64xf32, #tpu.memory_space<vmem>>)
    %dma_wait3A_97 = arith.constant 1 : i32
    %dma_wait3A_98 = arith.constant 128 : i32
    %dma_wait3A_99 = arith.constant 0 : i32
    %dma_wait3A_100 = tpu.memref_slice %arg12[%dma_wait3A_98, %dma_wait3A_99] : memref<256x64xf32, #tpu.memory_space<vmem>> -> memref<128x64xf32, #tpu.memory_space<vmem>>
    %dma_wait3A_101 = arith.constant 0 : i32
    %dma_wait3A_102 = tpu.memref_slice %arg10[%dma_wait3A_97, %dma_wait3A_101] : memref<2x128xi32, #tpu.memory_space<vmem>> -> memref<1x128xi32, #tpu.memory_space<vmem>>
    %dma_wait3A_103 = tpu.memref_squeeze %dma_wait3A_102 : memref<1x128xi32, #tpu.memory_space<vmem>> -> memref<128xi32, #tpu.memory_space<vmem>>
    %dma_wait3A_104 = arith.constant 0 : i32
    %dma_wait3A_105 = arith.constant 0 : i32
    %dma_wait3A_106 = tpu.memref_slice %arg4[%dma_wait3A_104, %dma_wait3A_105] : memref<200000x64xf32, #tpu.memory_space<hbm>> -> memref<200000x64xf32, #tpu.memory_space<hbm>>
    tpu.wait_indirect_dma semaphore(%arg20 : memref<!tpu.dma_semaphore, #tpu.memory_space<semaphore_mem>>) src(%dma_wait3A_106 : memref<200000x64xf32, #tpu.memory_space<hbm>>) dst(%dma_wait3A_100 : memref<128x64xf32, #tpu.memory_space<vmem>>)
    %dma_wait3A_107 = arith.constant 1 : i32
    %dma_wait3A_108 = arith.constant 128 : i32
    %dma_wait3A_109 = arith.constant 0 : i32
    %dma_wait3A_110 = tpu.memref_slice %arg13[%dma_wait3A_108, %dma_wait3A_109] : memref<256x64xf32, #tpu.memory_space<vmem>> -> memref<128x64xf32, #tpu.memory_space<vmem>>
    %dma_wait3A_111 = arith.constant 0 : i32
    %dma_wait3A_112 = tpu.memref_slice %arg11[%dma_wait3A_107, %dma_wait3A_111] : memref<2x128xi32, #tpu.memory_space<vmem>> -> memref<1x128xi32, #tpu.memory_space<vmem>>
    %dma_wait3A_113 = tpu.memref_squeeze %dma_wait3A_112 : memref<1x128xi32, #tpu.memory_space<vmem>> -> memref<128xi32, #tpu.memory_space<vmem>>
    %dma_wait3A_114 = arith.constant 0 : i32
    %dma_wait3A_115 = arith.constant 0 : i32
    %dma_wait3A_116 = tpu.memref_slice %arg4[%dma_wait3A_114, %dma_wait3A_115] : memref<200000x64xf32, #tpu.memory_space<hbm>> -> memref<200000x64xf32, #tpu.memory_space<hbm>>
    tpu.wait_indirect_dma semaphore(%arg20 : memref<!tpu.dma_semaphore, #tpu.memory_space<semaphore_mem>>) src(%dma_wait3A_116 : memref<200000x64xf32, #tpu.memory_space<hbm>>) dst(%dma_wait3A_110 : memref<128x64xf32, #tpu.memory_space<vmem>>)
    %broadcast_in_dim3A = arith.constant 0.000000e+00 : f32
    %broadcast_in_dim3A_117 = vector.broadcast %broadcast_in_dim3A : f32 to vector<16xf32>
    %scan3A_118 = arith.constant 0 : i32
    %scan3A_119 = arith.constant 256 : i32
    %scan3A_120 = arith.addi %scan3A_118, %scan3A_119 : i32
    %scan3A_121 = arith.constant 1 : i32
    %scan3A_122:4 = scf.for %scan3A_232 = %scan3A_118 to %scan3A_120 step %scan3A_121 iter_args(%scan3A_233 = %broadcast_in_dim3A_117, %scan3A_234 = %broadcast_in_dim3A_117, %scan3A_235 = %broadcast_in_dim3A_117, %scan3A_236 = %broadcast_in_dim3A_117) -> (vector<16xf32>, vector<16xf32>, vector<16xf32>, vector<16xf32>)  : i32 {
      %get3A_237 = arith.index_cast %scan3A_232 : i32 to index
      %get3A_238 = arith.constant 0 : index
      %get3A_239 = tpu.vector_load %arg12[%get3A_237, %get3A_238] {strides = array<i32>} : memref<256x64xf32, #tpu.memory_space<vmem>>, vector<1x16xf32>,
      %get3A_240 = vector.shape_cast %get3A_239 : vector<1x16xf32> to vector<16xf32>
      %get3A_241 = arith.index_cast %scan3A_232 : i32 to index
      %get3A_242 = arith.constant 0 : index
      %get3A_243 = tpu.vector_load %arg13[%get3A_241, %get3A_242] {strides = array<i32>} : memref<256x64xf32, #tpu.memory_space<vmem>>, vector<1x16xf32>,
      %get3A_244 = vector.shape_cast %get3A_243 : vector<1x16xf32> to vector<16xf32>
      %mul3A_245 = arith.mulf %get3A_240, %get3A_244 : vector<16xf32>
      %add3A_246 = arith.addf %scan3A_233, %mul3A_245 : vector<16xf32>
      %get3A_247 = arith.index_cast %scan3A_232 : i32 to index
      %get3A_248 = arith.constant 16 : index
      %get3A_249 = tpu.vector_load %arg12[%get3A_247, %get3A_248] {strides = array<i32>} : memref<256x64xf32, #tpu.memory_space<vmem>>, vector<1x16xf32>,
      %get3A_250 = vector.shape_cast %get3A_249 : vector<1x16xf32> to vector<16xf32>
      %get3A_251 = arith.index_cast %scan3A_232 : i32 to index
      %get3A_252 = arith.constant 16 : index
      %get3A_253 = tpu.vector_load %arg13[%get3A_251, %get3A_252] {strides = array<i32>} : memref<256x64xf32, #tpu.memory_space<vmem>>, vector<1x16xf32>,
      %get3A_254 = vector.shape_cast %get3A_253 : vector<1x16xf32> to vector<16xf32>
      %mul3A_255 = arith.mulf %get3A_250, %get3A_254 : vector<16xf32>
      %add3A_256 = arith.addf %scan3A_234, %mul3A_255 : vector<16xf32>
      %get3A_257 = arith.index_cast %scan3A_232 : i32 to index
      %get3A_258 = arith.constant 32 : index
      %get3A_259 = tpu.vector_load %arg12[%get3A_257, %get3A_258] {strides = array<i32>} : memref<256x64xf32, #tpu.memory_space<vmem>>, vector<1x16xf32>,
      %get3A_260 = vector.shape_cast %get3A_259 : vector<1x16xf32> to vector<16xf32>
      %get3A_261 = arith.index_cast %scan3A_232 : i32 to index
      %get3A_262 = arith.constant 32 : index
      %get3A_263 = tpu.vector_load %arg13[%get3A_261, %get3A_262] {strides = array<i32>} : memref<256x64xf32, #tpu.memory_space<vmem>>, vector<1x16xf32>,
      %get3A_264 = vector.shape_cast %get3A_263 : vector<1x16xf32> to vector<16xf32>
      %mul3A_265 = arith.mulf %get3A_260, %get3A_264 : vector<16xf32>
      %add3A_266 = arith.addf %scan3A_235, %mul3A_265 : vector<16xf32>
      %get3A_267 = arith.index_cast %scan3A_232 : i32 to index
      %get3A_268 = arith.constant 48 : index
      %get3A_269 = tpu.vector_load %arg12[%get3A_267, %get3A_268] {strides = array<i32>} : memref<256x64xf32, #tpu.memory_space<vmem>>, vector<1x16xf32>,
      %get3A_270 = vector.shape_cast %get3A_269 : vector<1x16xf32> to vector<16xf32>
      %get3A_271 = arith.index_cast %scan3A_232 : i32 to index
      %get3A_272 = arith.constant 48 : index
      %get3A_273 = tpu.vector_load %arg13[%get3A_271, %get3A_272] {strides = array<i32>} : memref<256x64xf32, #tpu.memory_space<vmem>>, vector<1x16xf32>,
      %get3A_274 = vector.shape_cast %get3A_273 : vector<1x16xf32> to vector<16xf32>
      %mul3A_275 = arith.mulf %get3A_270, %get3A_274 : vector<16xf32>
      %add3A_276 = arith.addf %scan3A_236, %mul3A_275 : vector<16xf32>
      scf.yield %add3A_246, %add3A_256, %add3A_266, %add3A_276 : vector<16xf32>, vector<16xf32>, vector<16xf32>, vector<16xf32>
    }
    %scan3A_123 = arith.constant 256 : i32
    %add3A = arith.addf %scan3A_122#0, %scan3A_122#1 : vector<16xf32>
    %add3A_124 = arith.addf %scan3A_122#2, %scan3A_122#3 : vector<16xf32>
    %add3A_125 = arith.addf %add3A, %add3A_124 : vector<16xf32>
    %swap3A = arith.constant 0 : index
    %swap3A_126 = tpu.vector_load %arg16[%swap3A] {strides = array<i32>} : memref<16xf32, #tpu.memory_space<vmem>>, vector<16xf32>,
    %swap3A_127 = vector.shape_cast %swap3A_126 : vector<16xf32> to vector<16xf32>
    %swap3A_128 = vector.shape_cast %add3A_125 : vector<16xf32> to vector<16xf32>
    tpu.vector_store %arg16[%swap3A], %swap3A_128 {strides = array<i32>} : memref<16xf32, #tpu.memory_space<vmem>>, vector<16xf32>,
    %mul3A_129 = arith.constant 16 : i32
    %mul3A_130 = arith.muli %arg1, %mul3A_129 : i32
    "tpu.region"() ({
      %run_scoped3A = tpu.sem_alloc : memref<!tpu.dma_semaphore, #tpu.memory_space<semaphore_mem>>
      %dma_start3A_232 = tpu.memref_slice %arg19[%mul3A_130] : memref<256xf32, #tpu.memory_space<vmem_shared>> -> memref<16xf32, #tpu.memory_space<vmem_shared>>
      %dma_start3A_233 = tpu.memref_slice %arg19[%mul3A_130] : memref<256xf32, #tpu.memory_space<vmem_shared>> -> memref<16xf32, #tpu.memory_space<vmem_shared>>
      tpu.enqueue_dma source(%arg16 : memref<16xf32, #tpu.memory_space<vmem>>) target(%dma_start3A_233 : memref<16xf32, #tpu.memory_space<vmem_shared>>) target_semaphore(%run_scoped3A : memref<!tpu.dma_semaphore, #tpu.memory_space<semaphore_mem>>)
      %dma_wait3A_234 = tpu.memref_slice %arg19[%mul3A_130] : memref<256xf32, #tpu.memory_space<vmem_shared>> -> memref<16xf32, #tpu.memory_space<vmem_shared>>
      %dma_wait3A_235 = tpu.memref_slice %arg19[%mul3A_130] : memref<256xf32, #tpu.memory_space<vmem_shared>> -> memref<16xf32, #tpu.memory_space<vmem_shared>>
      tpu.wait_dma2 semaphore(%run_scoped3A : memref<!tpu.dma_semaphore, #tpu.memory_space<semaphore_mem>>) src(%arg16 : memref<16xf32, #tpu.memory_space<vmem>>) dst(%dma_wait3A_235 : memref<16xf32, #tpu.memory_space<vmem_shared>>)
      tpu.yield
    }) : () -> ()
    %barrier3A = arith.constant 0 : index
    tpu.barrier barrier_id(%barrier3A)
    "tpu.region"() ({
      %run_scoped3A = tpu.sem_alloc : memref<!tpu.dma_semaphore, #tpu.memory_space<semaphore_mem>>
      tpu.enqueue_dma source(%arg19 : memref<256xf32, #tpu.memory_space<vmem_shared>>) target(%arg17 : memref<256xf32, #tpu.memory_space<vmem>>) target_semaphore(%run_scoped3A : memref<!tpu.dma_semaphore, #tpu.memory_space<semaphore_mem>>)
      tpu.wait_dma2 semaphore(%run_scoped3A : memref<!tpu.dma_semaphore, #tpu.memory_space<semaphore_mem>>) src(%arg19 : memref<256xf32, #tpu.memory_space<vmem_shared>>) dst(%arg17 : memref<256xf32, #tpu.memory_space<vmem>>)
      tpu.yield
    }) : () -> ()
    %get3A = arith.constant 0 : index
    %get3A_131 = tpu.vector_load %arg17[%get3A] {strides = array<i32>} : memref<256xf32, #tpu.memory_space<vmem>>, vector<16xf32>,
    %get3A_132 = vector.shape_cast %get3A_131 : vector<16xf32> to vector<16xf32>
    %scan3A_133 = arith.constant 1 : i32
    %scan3A_134 = arith.constant 15 : i32
    %scan3A_135 = arith.addi %scan3A_133, %scan3A_134 : i32
    %scan3A_136 = arith.constant 1 : i32
    %scan3A_137 = scf.for %scan3A_232 = %scan3A_133 to %scan3A_135 step %scan3A_136 iter_args(%scan3A_233 = %get3A_132) -> (vector<16xf32>)  : i32 {
      %mul3A_234 = arith.constant 16 : i32
      %mul3A_235 = arith.muli %scan3A_232, %mul3A_234 : i32
      %get3A_236 = arith.index_cast %mul3A_235 : i32 to index
      %get3A_237 = tpu.vector_load %arg17[%get3A_236] {strides = array<i32>} : memref<256xf32, #tpu.memory_space<vmem>>, vector<16xf32>,
      %get3A_238 = vector.shape_cast %get3A_237 : vector<16xf32> to vector<16xf32>
      %add3A_239 = arith.addf %scan3A_233, %get3A_238 : vector<16xf32>
      scf.yield %add3A_239 : vector<16xf32>
    }
    %scan3A_138 = arith.constant 15 : i32
    %iota3A = tpu.iota {dimensions = array<i32: 0>} : vector<16xi32>
    %xor3A = arith.constant 8 : i32
    %xor3A_139 = vector.broadcast %xor3A : i32 to vector<16xi32>
    %xor3A_140 = arith.xori %iota3A, %xor3A_139 : vector<16xi32>
    %lt3A = arith.constant 0 : i32
    %lt3A_141 = vector.broadcast %lt3A : i32 to vector<16xi32>
    %lt3A_142 = arith.cmpi slt, %xor3A_140, %lt3A_141 : vector<16xi32>
    %add3A_143 = arith.constant 16 : i32
    %add3A_144 = vector.broadcast %add3A_143 : i32 to vector<16xi32>
    %add3A_145 = arith.addi %xor3A_140, %add3A_144 : vector<16xi32>
    %select_n3A = arith.select %lt3A_142, %add3A_145, %xor3A_140 : vector<16xi1>, vector<16xi32>
    %broadcast_in_dim3A_146 = vector.shape_cast %select_n3A : vector<16xi32> to vector<16x1xi32>
    %gather3A = vector.shape_cast %broadcast_in_dim3A_146 : vector<16x1xi32> to vector<16xi32>
    %gather3A_147 = tpu.dynamic_gather %scan3A_137[%gather3A] in [0] : vector<16xf32>, vector<16xi32> -> vector<16xf32>
    %add3A_148 = arith.addf %scan3A_137, %gather3A_147 : vector<16xf32>
    %xor3A_149 = arith.constant 4 : i32
    %xor3A_150 = vector.broadcast %xor3A_149 : i32 to vector<16xi32>
    %xor3A_151 = arith.xori %iota3A, %xor3A_150 : vector<16xi32>
    %lt3A_152 = arith.constant 0 : i32
    %lt3A_153 = vector.broadcast %lt3A_152 : i32 to vector<16xi32>
    %lt3A_154 = arith.cmpi slt, %xor3A_151, %lt3A_153 : vector<16xi32>
    %add3A_155 = arith.constant 16 : i32
    %add3A_156 = vector.broadcast %add3A_155 : i32 to vector<16xi32>
    %add3A_157 = arith.addi %xor3A_151, %add3A_156 : vector<16xi32>
    %select_n3A_158 = arith.select %lt3A_154, %add3A_157, %xor3A_151 : vector<16xi1>, vector<16xi32>
    %broadcast_in_dim3A_159 = vector.shape_cast %select_n3A_158 : vector<16xi32> to vector<16x1xi32>
    %gather3A_160 = vector.shape_cast %broadcast_in_dim3A_159 : vector<16x1xi32> to vector<16xi32>
    %gather3A_161 = tpu.dynamic_gather %add3A_148[%gather3A_160] in [0] : vector<16xf32>, vector<16xi32> -> vector<16xf32>
    %add3A_162 = arith.addf %add3A_148, %gather3A_161 : vector<16xf32>
    %xor3A_163 = arith.constant 2 : i32
    %xor3A_164 = vector.broadcast %xor3A_163 : i32 to vector<16xi32>
    %xor3A_165 = arith.xori %iota3A, %xor3A_164 : vector<16xi32>
    %lt3A_166 = arith.constant 0 : i32
    %lt3A_167 = vector.broadcast %lt3A_166 : i32 to vector<16xi32>
    %lt3A_168 = arith.cmpi slt, %xor3A_165, %lt3A_167 : vector<16xi32>
    %add3A_169 = arith.constant 16 : i32
    %add3A_170 = vector.broadcast %add3A_169 : i32 to vector<16xi32>
    %add3A_171 = arith.addi %xor3A_165, %add3A_170 : vector<16xi32>
    %select_n3A_172 = arith.select %lt3A_168, %add3A_171, %xor3A_165 : vector<16xi1>, vector<16xi32>
    %broadcast_in_dim3A_173 = vector.shape_cast %select_n3A_172 : vector<16xi32> to vector<16x1xi32>
    %gather3A_174 = vector.shape_cast %broadcast_in_dim3A_173 : vector<16x1xi32> to vector<16xi32>
    %gather3A_175 = tpu.dynamic_gather %add3A_162[%gather3A_174] in [0] : vector<16xf32>, vector<16xi32> -> vector<16xf32>
    %add3A_176 = arith.addf %add3A_162, %gather3A_175 : vector<16xf32>
    %xor3A_177 = arith.constant 1 : i32
    %xor3A_178 = vector.broadcast %xor3A_177 : i32 to vector<16xi32>
    %xor3A_179 = arith.xori %iota3A, %xor3A_178 : vector<16xi32>
    %lt3A_180 = arith.constant 0 : i32
    %lt3A_181 = vector.broadcast %lt3A_180 : i32 to vector<16xi32>
    %lt3A_182 = arith.cmpi slt, %xor3A_179, %lt3A_181 : vector<16xi32>
    %add3A_183 = arith.constant 16 : i32
    %add3A_184 = vector.broadcast %add3A_183 : i32 to vector<16xi32>
    %add3A_185 = arith.addi %xor3A_179, %add3A_184 : vector<16xi32>
    %select_n3A_186 = arith.select %lt3A_182, %add3A_185, %xor3A_179 : vector<16xi1>, vector<16xi32>
    %broadcast_in_dim3A_187 = vector.shape_cast %select_n3A_186 : vector<16xi32> to vector<16x1xi32>
    %gather3A_188 = vector.shape_cast %broadcast_in_dim3A_187 : vector<16x1xi32> to vector<16xi32>
    %gather3A_189 = tpu.dynamic_gather %add3A_176[%gather3A_188] in [0] : vector<16xf32>, vector<16xi32> -> vector<16xf32>
    %add3A_190 = arith.addf %add3A_176, %gather3A_189 : vector<16xf32>
    %dma_wait3A_191 = arith.constant 0 : i32
    %dma_wait3A_192 = arith.constant 0 : i32
    %dma_wait3A_193 = tpu.memref_slice %arg14[%dma_wait3A_192] : memref<256xf32, #tpu.memory_space<vmem>> -> memref<128xf32, #tpu.memory_space<vmem>>
    %dma_wait3A_194 = arith.constant 0 : i32
    %dma_wait3A_195 = tpu.memref_slice %arg8[%dma_wait3A_191, %dma_wait3A_194] : memref<2x128xi32, #tpu.memory_space<vmem>> -> memref<1x128xi32, #tpu.memory_space<vmem>>
    %dma_wait3A_196 = tpu.memref_squeeze %dma_wait3A_195 : memref<1x128xi32, #tpu.memory_space<vmem>> -> memref<128xi32, #tpu.memory_space<vmem>>
    %dma_wait3A_197 = arith.constant 0 : i32
    %dma_wait3A_198 = tpu.memref_slice %arg5[%dma_wait3A_197] : memref<100000xf32, #tpu.memory_space<hbm>> -> memref<100000xf32, #tpu.memory_space<hbm>>
    tpu.wait_indirect_dma semaphore(%arg21 : memref<!tpu.dma_semaphore, #tpu.memory_space<semaphore_mem>>) src(%dma_wait3A_198 : memref<100000xf32, #tpu.memory_space<hbm>>) dst(%dma_wait3A_193 : memref<128xf32, #tpu.memory_space<vmem>>)
    %dma_wait3A_199 = arith.constant 0 : i32
    %dma_wait3A_200 = arith.constant 0 : i32
    %dma_wait3A_201 = tpu.memref_slice %arg15[%dma_wait3A_200] : memref<256xf32, #tpu.memory_space<vmem>> -> memref<128xf32, #tpu.memory_space<vmem>>
    %dma_wait3A_202 = arith.constant 0 : i32
    %dma_wait3A_203 = tpu.memref_slice %arg9[%dma_wait3A_199, %dma_wait3A_202] : memref<2x128xi32, #tpu.memory_space<vmem>> -> memref<1x128xi32, #tpu.memory_space<vmem>>
    %dma_wait3A_204 = tpu.memref_squeeze %dma_wait3A_203 : memref<1x128xi32, #tpu.memory_space<vmem>> -> memref<128xi32, #tpu.memory_space<vmem>>
    %dma_wait3A_205 = arith.constant 0 : i32
    %dma_wait3A_206 = tpu.memref_slice %arg6[%dma_wait3A_205] : memref<100000xf32, #tpu.memory_space<hbm>> -> memref<100000xf32, #tpu.memory_space<hbm>>
    tpu.wait_indirect_dma semaphore(%arg21 : memref<!tpu.dma_semaphore, #tpu.memory_space<semaphore_mem>>) src(%dma_wait3A_206 : memref<100000xf32, #tpu.memory_space<hbm>>) dst(%dma_wait3A_201 : memref<128xf32, #tpu.memory_space<vmem>>)
    %dma_wait3A_207 = arith.constant 1 : i32
    %dma_wait3A_208 = arith.constant 128 : i32
    %dma_wait3A_209 = tpu.memref_slice %arg14[%dma_wait3A_208] : memref<256xf32, #tpu.memory_space<vmem>> -> memref<128xf32, #tpu.memory_space<vmem>>
    %dma_wait3A_210 = arith.constant 0 : i32
    %dma_wait3A_211 = tpu.memref_slice %arg8[%dma_wait3A_207, %dma_wait3A_210] : memref<2x128xi32, #tpu.memory_space<vmem>> -> memref<1x128xi32, #tpu.memory_space<vmem>>
    %dma_wait3A_212 = tpu.memref_squeeze %dma_wait3A_211 : memref<1x128xi32, #tpu.memory_space<vmem>> -> memref<128xi32, #tpu.memory_space<vmem>>
    %dma_wait3A_213 = arith.constant 0 : i32
    %dma_wait3A_214 = tpu.memref_slice %arg5[%dma_wait3A_213] : memref<100000xf32, #tpu.memory_space<hbm>> -> memref<100000xf32, #tpu.memory_space<hbm>>
    tpu.wait_indirect_dma semaphore(%arg21 : memref<!tpu.dma_semaphore, #tpu.memory_space<semaphore_mem>>) src(%dma_wait3A_214 : memref<100000xf32, #tpu.memory_space<hbm>>) dst(%dma_wait3A_209 : memref<128xf32, #tpu.memory_space<vmem>>)
    %dma_wait3A_215 = arith.constant 1 : i32
    %dma_wait3A_216 = arith.constant 128 : i32
    %dma_wait3A_217 = tpu.memref_slice %arg15[%dma_wait3A_216] : memref<256xf32, #tpu.memory_space<vmem>> -> memref<128xf32, #tpu.memory_space<vmem>>
    %dma_wait3A_218 = arith.constant 0 : i32
    %dma_wait3A_219 = tpu.memref_slice %arg9[%dma_wait3A_215, %dma_wait3A_218] : memref<2x128xi32, #tpu.memory_space<vmem>> -> memref<1x128xi32, #tpu.memory_space<vmem>>
    %dma_wait3A_220 = tpu.memref_squeeze %dma_wait3A_219 : memref<1x128xi32, #tpu.memory_space<vmem>> -> memref<128xi32, #tpu.memory_space<vmem>>
    %dma_wait3A_221 = arith.constant 0 : i32
    %dma_wait3A_222 = tpu.memref_slice %arg6[%dma_wait3A_221] : memref<100000xf32, #tpu.memory_space<hbm>> -> memref<100000xf32, #tpu.memory_space<hbm>>
    tpu.wait_indirect_dma semaphore(%arg21 : memref<!tpu.dma_semaphore, #tpu.memory_space<semaphore_mem>>) src(%dma_wait3A_222 : memref<100000xf32, #tpu.memory_space<hbm>>) dst(%dma_wait3A_217 : memref<128xf32, #tpu.memory_space<vmem>>)
    %scan3A_223 = arith.constant 0 : i32
    %scan3A_224 = arith.constant 0 : i32
    %scan3A_225 = arith.constant 16 : i32
    %scan3A_226 = arith.addi %scan3A_224, %scan3A_225 : i32
    %scan3A_227 = arith.constant 1 : i32
    %scan3A_228 = scf.for %scan3A_232 = %scan3A_224 to %scan3A_226 step %scan3A_227 iter_args(%scan3A_233 = %scan3A_223) -> (i32)  : i32 {
      %mul3A_234 = arith.constant 16 : i32
      %mul3A_235 = arith.muli %scan3A_232, %mul3A_234 : i32
      %get3A_236 = arith.index_cast %mul3A_235 : i32 to index
      %get3A_237 = tpu.vector_load %arg14[%get3A_236] {strides = array<i32>} : memref<256xf32, #tpu.memory_space<vmem>>, vector<16xf32>,
      %get3A_238 = vector.shape_cast %get3A_237 : vector<16xf32> to vector<16xf32>
      %add3A_239 = arith.addf %add3A_190, %get3A_238 : vector<16xf32>
      %get3A_240 = arith.index_cast %mul3A_235 : i32 to index
      %get3A_241 = tpu.vector_load %arg15[%get3A_240] {strides = array<i32>} : memref<256xf32, #tpu.memory_space<vmem>>, vector<16xf32>,
      %get3A_242 = vector.shape_cast %get3A_241 : vector<16xf32> to vector<16xf32>
      %add3A_243 = arith.addf %add3A_239, %get3A_242 : vector<16xf32>
      %neg3A = arith.constant 0.000000e+00 : f32
      %neg3A_244 = vector.broadcast %neg3A : f32 to vector<16xf32>
      %neg3A_245 = arith.subf %neg3A_244, %add3A_243 : vector<16xf32>
      %exp3A = math.exp %neg3A_245 : vector<16xf32>
      %add3A_246 = arith.constant 1.000000e+00 : f32
      %add3A_247 = vector.broadcast %add3A_246 : f32 to vector<16xf32>
      %add3A_248 = arith.addf %add3A_247, %exp3A : vector<16xf32>
      %div3A = arith.constant 1.000000e+00 : f32
      %div3A_249 = vector.broadcast %div3A : f32 to vector<16xf32>
      %div3A_250 = arith.divf %div3A_249, %add3A_248 : vector<16xf32>
      %swap3A_251 = arith.index_cast %mul3A_235 : i32 to index
      %swap3A_252 = tpu.vector_load %arg18[%swap3A_251] {strides = array<i32>} : memref<256xf32, #tpu.memory_space<vmem>>, vector<16xf32>,
      %swap3A_253 = vector.shape_cast %swap3A_252 : vector<16xf32> to vector<16xf32>
      %swap3A_254 = vector.shape_cast %div3A_250 : vector<16xf32> to vector<16xf32>
      tpu.vector_store %arg18[%swap3A_251], %swap3A_254 {strides = array<i32>} : memref<256xf32, #tpu.memory_space<vmem>>, vector<16xf32>,
      %scan3A_255 = arith.constant 0 : i32
      scf.yield %scan3A_255 : i32
    }
    %scan3A_229 = arith.constant 16 : i32
    %mul3A_230 = arith.constant 256 : i32
    %mul3A_231 = arith.muli %arg1, %mul3A_230 : i32
    "tpu.region"() ({
      %run_scoped3A = tpu.sem_alloc : memref<!tpu.dma_semaphore, #tpu.memory_space<semaphore_mem>>
      %dma_start3A_232 = tpu.memref_slice %arg7[%mul3A_231] : memref<4096xf32, #tpu.memory_space<hbm>> -> memref<256xf32, #tpu.memory_space<hbm>>
      %dma_start3A_233 = tpu.memref_slice %arg7[%mul3A_231] : memref<4096xf32, #tpu.memory_space<hbm>> -> memref<256xf32, #tpu.memory_space<hbm>>
      tpu.enqueue_dma source(%arg18 : memref<256xf32, #tpu.memory_space<vmem>>) target(%dma_start3A_233 : memref<256xf32, #tpu.memory_space<hbm>>) target_semaphore(%run_scoped3A : memref<!tpu.dma_semaphore, #tpu.memory_space<semaphore_mem>>)
      %dma_wait3A_234 = tpu.memref_slice %arg7[%mul3A_231] : memref<4096xf32, #tpu.memory_space<hbm>> -> memref<256xf32, #tpu.memory_space<hbm>>
      %dma_wait3A_235 = tpu.memref_slice %arg7[%mul3A_231] : memref<4096xf32, #tpu.memory_space<hbm>> -> memref<256xf32, #tpu.memory_space<hbm>>
      tpu.wait_dma2 semaphore(%run_scoped3A : memref<!tpu.dma_semaphore, #tpu.memory_space<semaphore_mem>>) src(%arg18 : memref<256xf32, #tpu.memory_space<vmem>>) dst(%dma_wait3A_235 : memref<256xf32, #tpu.memory_space<hbm>>)
      tpu.yield
    }) : () -> ()
    return
  }
}

module attributes {stable_mosaic.version = 14 : i64} {
  func.func @_transpose_body(%arg0: i32, %arg1: memref<64x16384xf32, #tpu.memory_space<vmem>>, %arg2: memref<64x16384xf32, #tpu.memory_space<vmem>>, %arg3: memref<1x16384xf32, #tpu.memory_space<vmem>>, %arg4: memref<1x16384xf32, #tpu.memory_space<vmem>>, %arg5: memref<16384x128xf32, #tpu.memory_space<vmem>>, %arg6: memref<16384xf32, #tpu.memory_space<vmem>>, %arg7: memref<16384xf32, #tpu.memory_space<vmem>>) attributes {dimension_semantics = [#tpu.dimension_semantics<arbitrary>], iteration_bounds = array<i64: 7>, scalar_prefetch = 0 : i64, scratch_operands = 0 : i64, tpu.core_type = #tpu.core_type<tc>, window_params = [{transform_indices = @transform_0, window_bounds = array<i64: 64, 16384>}, {transform_indices = @transform_1, window_bounds = array<i64: 64, 16384>}, {transform_indices = @transform_2, window_bounds = array<i64: 1, 16384>}, {transform_indices = @transform_3, window_bounds = array<i64: 1, 16384>}, {transform_indices = @transform_4, window_bounds = array<i64: 16384, 128>}, {transform_indices = @transform_5, window_bounds = array<i64: 16384>}, {transform_indices = @transform_6, window_bounds = array<i64: 16384>}]} {
    %get3A = arith.constant 0 : index
    %get3A_0 = arith.constant 0 : index
    %get3A_1 = vector.load %arg1[%get3A, %get3A_0] : memref<64x16384xf32, #tpu.memory_space<vmem>>, vector<64x16384xf32>
    %get3A_2 = arith.constant 0 : index
    %get3A_3 = arith.constant 0 : index
    %get3A_4 = vector.load %arg2[%get3A_2, %get3A_3] : memref<64x16384xf32, #tpu.memory_space<vmem>>, vector<64x16384xf32>
    %concatenate3A = tpu.concatenate %get3A_1, %get3A_4 in 0 : vector<64x16384xf32>, vector<64x16384xf32> -> vector<128x16384xf32>
    %transpose3A = tpu.transpose %concatenate3A, [1, 0] : vector<128x16384xf32> -> vector<16384x128xf32>
    %swap3A = arith.constant 0 : index
    %swap3A_5 = arith.constant 0 : index
    %swap3A_6 = vector.load %arg5[%swap3A, %swap3A_5] : memref<16384x128xf32, #tpu.memory_space<vmem>>, vector<16384x128xf32>
    tpu.vector_store %arg5[%swap3A, %swap3A_5], %transpose3A {strides = array<i32>} : memref<16384x128xf32, #tpu.memory_space<vmem>>, vector<16384x128xf32>,
    %get3A_7 = arith.constant 0 : index
    %get3A_8 = arith.constant 0 : index
    %get3A_9 = vector.load %arg3[%get3A_7, %get3A_8] : memref<1x16384xf32, #tpu.memory_space<vmem>>, vector<1x16384xf32>
    %get3A_10 = vector.shape_cast %get3A_9 : vector<1x16384xf32> to vector<16384xf32>
    %swap3A_11 = arith.constant 0 : index
    %swap3A_12 = vector.load %arg6[%swap3A_11] : memref<16384xf32, #tpu.memory_space<vmem>>, vector<16384xf32>
    tpu.vector_store %arg6[%swap3A_11], %get3A_10 {strides = array<i32>} : memref<16384xf32, #tpu.memory_space<vmem>>, vector<16384xf32>,
    %get3A_13 = arith.constant 0 : index
    %get3A_14 = arith.constant 0 : index
    %get3A_15 = vector.load %arg4[%get3A_13, %get3A_14] : memref<1x16384xf32, #tpu.memory_space<vmem>>, vector<1x16384xf32>
    %get3A_16 = vector.shape_cast %get3A_15 : vector<1x16384xf32> to vector<16384xf32>
    %swap3A_17 = arith.constant 0 : index
    %swap3A_18 = vector.load %arg7[%swap3A_17] : memref<16384xf32, #tpu.memory_space<vmem>>, vector<16384xf32>
    tpu.vector_store %arg7[%swap3A_17], %get3A_16 {strides = array<i32>} : memref<16384xf32, #tpu.memory_space<vmem>>, vector<16384xf32>,
    return
  }
  func.func @transform_0(%arg0: i32) -> (i32, i32) {
    %c0_i32 = arith.constant 0 : i32
    %c0_i32_0 = arith.constant 0 : i32
    return %c0_i32, %arg0 : i32, i32
  }
  func.func @transform_1(%arg0: i32) -> (i32, i32) {
    %c0_i32 = arith.constant 0 : i32
    %c0_i32_0 = arith.constant 0 : i32
    return %c0_i32, %arg0 : i32, i32
  }
  func.func @transform_2(%arg0: i32) -> (i32, i32) {
    %c0_i32 = arith.constant 0 : i32
    %c0_i32_0 = arith.constant 0 : i32
    return %c0_i32, %arg0 : i32, i32
  }
  func.func @transform_3(%arg0: i32) -> (i32, i32) {
    %c0_i32 = arith.constant 0 : i32
    %c0_i32_0 = arith.constant 0 : i32
    return %c0_i32, %arg0 : i32, i32
  }
  func.func @transform_4(%arg0: i32) -> (i32, i32) {
    %c0_i32 = arith.constant 0 : i32
    %c0_i32_0 = arith.constant 0 : i32
    return %arg0, %c0_i32 : i32, i32
  }
  func.func @transform_5(%arg0: i32) -> i32 {
    %c0_i32 = arith.constant 0 : i32
    return %arg0 : i32
  }
  func.func @transform_6(%arg0: i32) -> i32 {
    %c0_i32 = arith.constant 0 : i32
    return %arg0 : i32
  }
}

</mosaic_0001>

<sc_bundles>
// kernel: kernel.4.cloned.1.call-start
scs
__scs_entry_jumppad:
0x0: {  	(pc) =	sbr.rel $0x88, $3  }
0x1: {  	(tag) =	ssettag $0x0;
	lr =	simm.s32 $0x1  }
0x2: {  	[smem:$0x3F9C] =	sst lr;
	_ =	strace $0xD0000000  }
0x3: {  	_ = 	snop  }
0x4: {  	_ = 	snop  }
0x5: {  	_ = 	snop  }
0x6: {  	_ = 	snop  }
0x7: {  	_ = 	snop  }
__scs_overlays_trampoline_lowered:
0x8: {  	[smem:$0x3FAB] =	sst s0  }
0x9: {  	[smem:$0x3FAC] =	sst s1  }
0xa: {  	[smem:$0x3FAD] =	sst s2  }
0xb: {  	[smem:$0x3FAE] =	sst s3  }
0xc: {  	[smem:$0x3FAF] =	sst s4  }
0xd: {  	[smem:$0x3FB0] =	sst s5  }
0xe: {  	[smem:$0x3FB1] =	sst s6  }
0xf: {  	[smem:$0x3FB2] =	sst s7  }
0x10: {  	[smem:$0x3FB3] =	sst s8  }
0x11: {  	[smem:$0x3FB4] =	sst s9;
	s0 =	simm.s32 @!p0 $0x0  }
0x12: {  	s1 =	sld [smem:$0x3F9A];
	s0 =	simm.s32 @p0 $0x1  }
0x13: {  	[smem:$0x3FB5] =	sst s0;
	s0 =	simm.s32 @!p1 $0x0  }
0x14: {  	s2 =	sld [smem:$0x3F99];
	s0 =	simm.s32 @p1 $0x1  }
0x15: {  	[smem:$0x3FB6] =	sst s0;
	s0 =	simm.s32 @!p2 $0x0  }
0x16: {  	s3 =	sld [smem:$0x3FDB];
	s0 =	simm.s32 @p2 $0x1  }
0x17: {  	s4 =	simm.s32 $0x1BF5;
	[smem:$0x3FB8] =	sst s0  }
0x18: {  	s0 =	sld [smem:$0x3F9B];
	_ =	swait.ge [sflag:s4], $0x0  }
0x19: {  	s7 =	sld [smem:$0x3F9C]  }
0x1a: {  	s8 =	sadd.s32 $0xFFFFE003, lr  }
0x1b: {  	s9 =	sadd.s32 $0xFFFFFEF7, lr;
	s5 =	simm.s32 $0xFFFFFFFF;
	p2 =	slt.u32 s8, $0xFFFFF086  }
0x1c: {  	p1 =	slt.u32 s9, $0xF7A;
	s5 =	simm.s32 @!p2 $0x0  }
0x1d: {  	s5 =	simm.s32 @p1 $0x1;
	p0 =	seq.s32 s7, s2  }
0x1e: {  	s7 =	smul.u32 @!p0 $0xF7A, s2;
	p2 =	seq.s32 @!p0 s5, $0x0  }
0x1f: {  	s9 =	smul.u32 $0xF7A, s1;
	s8 =	simm.s32 @!p0 $0x1BF5;
	p2 =	por !p2, p0  }
0x20: {  	[sflag:s8] =	ssyncset.s32 @!p0 $0xFFFFF086;
	s6 =	sadd.s32 @!p0 s3, s7;
	s7 =	simm.s32 @!p0 $0x108  }
0x21: {  	s3 =	sadd.s32 s3, s9;
	s6 =	sadd.s32 @!p0 $0x88, s6;
	s7 =	simm.s32 @p2 $0x1082  }
0x22: {  	[simem:s7], [sflag:s8] =	dma.local @!p0 [hbm:s6], $0xF7A  }
0x23: {  	s9 =	sor.u32 $0xD0000000, s2;
	s6 =	simm.s32 $0x108;
	_ =	swait.ge @!p0 [sflag:s8], $0x0  }
0x24: {  	s3 =	sadd.s32 $0x88, s3;
	s6 =	simm.s32 @!p1 $0x1082;
	[sflag:s4] =	ssyncset.s32 $0xFFFFF086  }
0x25: {  	[simem:s6], [sflag:s4] =	dma.local [hbm:s3], $0xF7A  }
0x26: {  	[smem:$0x3F9C] =	sst s1;
	(tag) =	ssettag s2;
	_ =	strace s9  }
0x27: {  	s1 =	sld [smem:$0x3FAC]  }
0x28: {  	s2 =	sld [smem:$0x3FAD]  }
0x29: {  	s4 =	sld [smem:$0x3FAF]  }
0x2a: {  	p0 =	seq.s32 s5, $0x0;
	s5 =	sld [smem:$0x3FB0]  }
0x2b: {  	s6 =	sld [smem:$0x3FB1]  }
0x2c: {  	s7 =	sld [smem:$0x3FB2]  }
0x2d: {  	s3 =	simm.s32 $0x108;
	s8 =	sld [smem:$0x3FB3]  }
0x2e: {  	s3 =	simm.s32 @!p0 $0x1082;
	s9 =	sld [smem:$0x3FB4]  }
0x2f: {  	lr =	sadd.s32 s0, s3;
	s0 =	sld [smem:$0x3FAB]  }
0x30: {  	s3 =	sld [smem:$0x3FAE]  }
0x31: {  	[smem:$0x3FB7] =	sst s10  }
0x32: {  	s10 =	sld [smem:$0x3FB5];
	_ =	sdelay $0x3  }
0x33: {  	p0 =	seq.s32 s10, $0x1;
	s10 =	sld [smem:$0x3FB7];
	_ =	sdelay $0x3  }
0x34: {  	[smem:$0x3FB7] =	sst s10  }
0x35: {  	s10 =	sld [smem:$0x3FB6];
	_ =	sdelay $0x3  }
0x36: {  	p1 =	seq.s32 s10, $0x1;
	s10 =	sld [smem:$0x3FB7];
	_ =	sdelay $0x3  }
0x37: {  	[smem:$0x3FB7] =	sst s10  }
0x38: {  	s10 =	sld [smem:$0x3FB8]  }
0x39: {  	_ = 	snop;
	(pc) =	sbr.ind lr, $3  }
0x3a: {  	_ = 	snop  }
0x3b: {  	_ = 	snop  }
0x3c: {  	p2 =	seq.s32 s10, $0x1;
	s10 =	sld [smem:$0x3FB7]  }
0x3d: {  	_ =	shalt  }
0x3e: {  	_ =	shalt  }
0x3f: {  	_ =	shalt  }
0x40: {  	_ =	shalt  }
0x41: {  	_ =	shalt  }
0x42: {  	_ =	shalt  }
0x43: {  	_ =	shalt  }
0x44: {  	_ =	shalt  }
0x45: {  	_ =	shalt  }
0x46: {  	_ =	shalt  }
0x47: {  	_ =	shalt  }
0x48: {  	_ =	shalt  }
0x49: {  	_ =	shalt  }
0x4a: {  	_ =	shalt  }
0x4b: {  	_ =	shalt  }
0x4c: {  	_ =	shalt  }
0x4d: {  	_ =	shalt  }
0x4e: {  	_ =	shalt  }
0x4f: {  	_ =	shalt  }
0x50: {  	_ =	shalt  }
0x51: {  	_ =	shalt  }
0x52: {  	_ =	shalt  }
0x53: {  	_ =	shalt  }
0x54: {  	_ =	shalt  }
0x55: {  	_ =	shalt  }
0x56: {  	_ =	shalt  }
0x57: {  	_ =	shalt  }
0x58: {  	_ =	shalt  }
0x59: {  	_ =	shalt  }
0x5a: {  	_ =	shalt  }
0x5b: {  	_ =	shalt  }
0x5c: {  	_ =	shalt  }
0x5d: {  	_ =	shalt  }
0x5e: {  	_ =	shalt  }
0x5f: {  	_ =	shalt  }
0x60: {  	_ =	shalt  }
0x61: {  	_ =	shalt  }
0x62: {  	_ =	shalt  }
0x63: {  	_ =	shalt  }
0x64: {  	_ =	shalt  }
0x65: {  	_ =	shalt  }
0x66: {  	_ =	shalt  }
0x67: {  	_ =	shalt  }
0x68: {  	_ =	shalt  }
0x69: {  	_ =	shalt  }
0x6a: {  	_ =	shalt  }
0x6b: {  	_ =	shalt  }
0x6c: {  	_ =	shalt  }
0x6d: {  	_ =	shalt  }
0x6e: {  	_ =	shalt  }
0x6f: {  	_ =	shalt  }
0x70: {  	_ =	shalt  }
0x71: {  	_ =	shalt  }
0x72: {  	_ =	shalt  }
0x73: {  	_ =	shalt  }
0x74: {  	_ =	shalt  }
0x75: {  	_ =	shalt  }
0x76: {  	_ =	shalt  }
0x77: {  	_ =	shalt  }
0x78: {  	_ =	shalt  }
0x79: {  	_ =	shalt  }
0x7a: {  	_ =	shalt  }
0x7b: {  	_ =	shalt  }
0x7c: {  	_ =	shalt  }
0x7d: {  	_ =	shalt  }
0x7e: {  	_ =	shalt  }
0x7f: {  	_ =	shalt  }
0x80: {  	_ =	shalt  }
0x81: {  	_ =	shalt  }
0x82: {  	_ =	shalt  }
0x83: {  	_ =	shalt  }
0x84: {  	_ =	shalt  }
0x85: {  	_ =	shalt  }
0x86: {  	_ =	shalt  }
0x87: {  	_ =	shalt  }
.Lfunc_end0:
.L_simem_size_0:
called_computation_lowered:
.L_overlay_start_0:
0x88: {  	s0 =	sld [smem:$0x3FD9]  }
0x89: {  	s1 =	sld [smem:$0x3FFE];
	_ =	sdelay $0x3  }
0x8a: {  	s0 =	sadd.s32 s1, s0  }
0x8b: {  	[smem:$0x3FC3] =	sst s0  }
0x8c: {  	_ = 	snop  }
0x8d: {  	s0 =	sld [smem:$0x3FD0];
	(tm) =	ssettm $0x1  }
0x8e: {  	s16 =	sld [smem:$0x3FFB];
	_ =	sdelay $0x3  }
0x8f: {  	_ =	strace s16  }
0x90: {  	s1 =	sld [smem:$0x3FFC];
	_ =	sdelay $0x3  }
0x91: {  	_ =	strace s1  }
0x92: {  	s1 =	sld [smem:$0x3FFD];
	_ =	sdelay $0x3  }
0x93: {  	_ =	strace s1  }
0x94: {  	_ =	strace $0x8FFFFFFF  }
0x95: {  	s17 =	sld [smem:$0x3FDB];
	_ =	sdelay $0x1  }
0x96: {  	s2 =	simm.s32 $_scs_section_size  }
0x97: {  	s3 =	simm.s32 $_size__tile_overlayer_lowered;
	s4 =	simm.s32 $_tile_overlayer_lowered  }
0x98: {  	s20 =	simm.s32 $0x1BFF;
	s19 =	sshll.u32 s4, $0x1;
	s1 =	sadd.s32 s2, s17  }
0x99: {  	s5 =	simm.s32 $0x0;
	s18 =	sshll.u32 s3, $0x1;
	s3 =	sadd.s32 s19, s1  }
0x9a: {  	[timem:s5], [sflag:s20] =	dma.local [hbm:s3], s18  }
0x9b: {  	_ =	swait.ge [sflag:s20], s18  }
0x9c: {  	s2 =	ssub.s32 $0x0, s18;
	[sflag:s20] =	ssyncset.done $0x0  }
0x9d: {  	[sflag:s20] =	ssyncadd.s32 s2;
	_ =	sdelay $0x1  }
0x9e: {  	s21 =	simm.s32 $0x1B8B  }
0x9f: {  	_ =	swait.ge [sflag:s21], $0x1  }
0xa0: {  	[sflag:s21] =	ssyncset.done $0x0  }
0xa1: {  	s23 =	simm.s32 $0x1B8E;
	s22 =	sld [smem:$0x3FFE];
	[sflag:s21] =	ssyncadd.s32 $0xFFFFFFFF  }
0xa2: {  	s24 =	simm.s32 $execute0_lowered;
	[smem:$0x3FD2] =	sst s23  }
0xa3: {  	s3 =	sshll.u32 s24, $0x1;
	_ =	strace $0x80000046;
	[dreg:$0x1] =	wrdreg $0xFFFFFFFF  }
0xa4: {  	s25 =	simm.s32 $_size_execute0_lowered;
	s1 =	sadd.s32 s1, s3;
	[dreg:$0x0] =	wrdreg $0x0  }
0xa5: {  	s3 =	sshll.u32 s25, $0x1;
	[dreg:$0x2] =	wrdreg s1  }
0xa6: {  	[dreg:$0x3] =	wrdreg s3  }
0xa7: {  	[dreg:$0x4] =	wrdreg $0xC0  }
0xa8: {  	_ =	task [dreg:s5], $0x5FFFF  }
0xa9: {  	[dreg:$0x1] =	wrdreg $0xFFFFFFFF  }
0xaa: {  	[dreg:$0x0] =	wrdreg $0x60  }
0xab: {  	[dreg:$0x2] =	wrdreg s22  }
0xac: {  	[dreg:$0x3] =	wrdreg s0  }
0xad: {  	[dreg:$0x4] =	wrdreg $0x88100  }
0xae: {  	[dreg:$0x5] =	wrdreg $0x9  }
0xaf: {  	_ =	task.clear_ibuf [dreg:s5], $0x6FFFF;
	_ =	strace $0x90000046  }
0xb0: {  	s26 =	simm.s32 $0x9;
	_ =	strace $0x80000048  }
0xb1: {  	_ =	swait.ge [sflag:s26], $0x1  }
0xb2: {  	[sflag:s26] =	ssyncadd.s32 $0xFFFFFFFF  }
0xb3: {  	_ =	strace $0x90000048  }
0xb4: {  	_ =	sfence  }
0xb5: {  	s28 =	sld [smem:$0x0];
	_ =	sdelay $0x1  }
0xb6: {  	s29 =	srdreg.scid  }
0xb7: {  	s30 =	sshll.u32 s29, $0xD;
	s31 =	sshrl.u32 s29, $0x2  }
0xb8: {  	s2 =	sand.u32 $0x4000, s30;
	s1 =	sand.u32 $0x1, s29;
	s0 =	sadd.s32 s31, s28  }
0xb9: {  	s1 =	sor.u32 s2, s1;
	s0 =	sshll.u32 s0, $0x11  }
0xba: {  	s0 =	sor.u32 s0, s1  }
0xbb: {  	s0 =	sadd.s32 $0x8F2B, s0  }
0xbc: {  	[sflag:s0] =	ssyncadd.remote.s32 $0x1  }
0xbd: {  	_ =	sfence.sel $0xFFFF  }
0xbe: {  	[dreg:$0x0] =	wrdreg $0xFFFFFFFF;
	(pc) =	sbr.abs _section_cstart, $3  }
0xbf: {  	[dreg:$0x1] =	wrdreg $0xFFFFFFFF  }
0xc0: {  	_ =	task.clear_ibuf [dreg:s5], $0x2FFFF;
	_ =	strace $0x9FFFFFFF  }
0xc1: {  	(tm) =	ssettm $0x7FFFFFFF  }
tec
execute0_lowered:
.L_overlay_start_1:
0x0: {  	(tag) =	ssettag $0x1  }
0x1: {  	s5 =	rddreg [dreg:$0x0]  }
0x2: {  	s2 =	rddreg [dreg:$0x1]  }
0x3: {  	s4 =	rddreg [dreg:$0x2];
	s1 =	stileid.u32  }
0x4: {  	s0 =	rddreg [dreg:$0x3];
	s6 =	simm.s32 $0x0;
	s3 =	sshll.u32 s1, $0x5  }
0x5: {  	[smem:$0x7FF] =	sst s6;
	s7 =	sadd.s32 s3, s5  }
0x6: {  	s13 =	simm.s32 $0x3;
	_ =	strace $0x80000047;
	s8 =	sadd.s32 $0xA00, s7  }
0x7: {  	[tilespmem:s6], [sflag:$0x3] =	stream.linear.gather [hbm4b:s8+s6], $0x100, $0x38;
	[tilespmem:$0x8820] =	vst v63  }
0x8: {  	_ =	swait.ge [sflag:s13], $0x100  }
0x9: {  	[sflag:s13] =	ssyncset.done $0x0  }
0xa: {  	s14 =	simm.s32 $0x100;
	s9 =	sadd.s32 $0x800, s7;
	[sflag:s13] =	ssyncadd.s32 $0xFFFFFF00  }
0xb: {  	[tilespmem:s14], [sflag:$0x3] =	stream.linear.gather [hbm4b:s9+s6], $0x100, $0x38;
	[tilespmem:$0x8820] =	vst v63  }
0xc: {  	_ =	swait.ge [sflag:s13], $0x100  }
0xd: {  	[sflag:s13] =	ssyncset.done $0x0  }
0xe: {  	[sflag:s13] =	ssyncadd.s32 $0xFFFFFF00  }
0xf: {  	v0 =	vld [tilespmem:$0x0]  }
0x10: {  	v1 =	vld [tilespmem:$0x100]  }
0x11: {  	v2 =	vld [tilespmem:$0x80]  }
0x12: {  	v3 =	vld [tilespmem:$0x180]  }
0x13: {  	v4 =	vld [tilespmem:$0x10]  }
0x14: {  	v5 =	vld [tilespmem:$0x110]  }
0x15: {  	v6 =	vld [tilespmem:$0x90];
	v0 =	vshll.u32 v0, $0x1;
	v1 =	vshll.u32 v1, $0x1  }
0x16: {  	[tilespmem:$0x200] =	vst v0;
	v0 =	vor.u32 $0x1, v1;
	v1 =	vld [tilespmem:$0x190]  }
0x17: {  	[tilespmem:$0x300] =	vst v0;
	v0 =	vshll.u32 v2, $0x1;
	v2 =	vshll.u32 v3, $0x1;
	v3 =	vld [tilespmem:$0x20]  }
0x18: {  	[tilespmem:$0x280] =	vst v0;
	v0 =	vor.u32 $0x1, v2;
	v2 =	vld [tilespmem:$0x120]  }
0x19: {  	[tilespmem:$0x380] =	vst v0;
	v0 =	vshll.u32 v4, $0x1;
	v4 =	vshll.u32 v5, $0x1;
	v5 =	vld [tilespmem:$0xA0]  }
0x1a: {  	[tilespmem:$0x210] =	vst v0;
	v0 =	vor.u32 $0x1, v4;
	v4 =	vld [tilespmem:$0x1A0]  }
0x1b: {  	[tilespmem:$0x310] =	vst v0;
	v0 =	vshll.u32 v6, $0x1;
	v1 =	vshll.u32 v1, $0x1;
	v6 =	vld [tilespmem:$0x30]  }
0x1c: {  	[tilespmem:$0x290] =	vst v0;
	v0 =	vor.u32 $0x1, v1;
	v1 =	vld [tilespmem:$0x130]  }
0x1d: {  	[tilespmem:$0x390] =	vst v0;
	v0 =	vshll.u32 v3, $0x1;
	v2 =	vshll.u32 v2, $0x1;
	v3 =	vld [tilespmem:$0xB0]  }
0x1e: {  	[tilespmem:$0x220] =	vst v0;
	v0 =	vor.u32 $0x1, v2;
	v2 =	vld [tilespmem:$0x1B0]  }
0x1f: {  	[tilespmem:$0x320] =	vst v0;
	v0 =	vshll.u32 v5, $0x1;
	v4 =	vshll.u32 v4, $0x1;
	v5 =	vld [tilespmem:$0x40]  }
0x20: {  	[tilespmem:$0x2A0] =	vst v0;
	v0 =	vor.u32 $0x1, v4;
	v4 =	vld [tilespmem:$0x140]  }
0x21: {  	[tilespmem:$0x3A0] =	vst v0;
	v0 =	vshll.u32 v6, $0x1;
	v1 =	vshll.u32 v1, $0x1;
	v6 =	vld [tilespmem:$0xC0]  }
0x22: {  	[tilespmem:$0x230] =	vst v0;
	v0 =	vor.u32 $0x1, v1;
	v1 =	vld [tilespmem:$0x1C0]  }
0x23: {  	[tilespmem:$0x330] =	vst v0;
	v0 =	vshll.u32 v3, $0x1;
	v2 =	vshll.u32 v2, $0x1;
	v3 =	vld [tilespmem:$0x50]  }
0x24: {  	[tilespmem:$0x2B0] =	vst v0;
	v0 =	vor.u32 $0x1, v2;
	v2 =	vld [tilespmem:$0x150]  }
0x25: {  	[tilespmem:$0x3B0] =	vst v0;
	v0 =	vshll.u32 v5, $0x1;
	v4 =	vshll.u32 v4, $0x1;
	v5 =	vld [tilespmem:$0xD0]  }
0x26: {  	[tilespmem:$0x240] =	vst v0;
	v0 =	vor.u32 $0x1, v4;
	v4 =	vld [tilespmem:$0x1D0]  }
0x27: {  	[tilespmem:$0x340] =	vst v0;
	v0 =	vshll.u32 v6, $0x1;
	v1 =	vshll.u32 v1, $0x1;
	v6 =	vld [tilespmem:$0x60]  }
0x28: {  	[tilespmem:$0x2C0] =	vst v0;
	v0 =	vor.u32 $0x1, v1;
	v1 =	vld [tilespmem:$0x160]  }
0x29: {  	[tilespmem:$0x3C0] =	vst v0;
	v0 =	vshll.u32 v3, $0x1;
	v2 =	vshll.u32 v2, $0x1;
	v3 =	vld [tilespmem:$0xE0]  }
0x2a: {  	[tilespmem:$0x250] =	vst v0;
	v0 =	vor.u32 $0x1, v2;
	v2 =	vld [tilespmem:$0x1E0]  }
0x2b: {  	[tilespmem:$0x350] =	vst v0;
	v0 =	vshll.u32 v5, $0x1;
	v4 =	vshll.u32 v4, $0x1;
	v5 =	vld [tilespmem:$0x70]  }
0x2c: {  	[tilespmem:$0x2D0] =	vst v0;
	v0 =	vor.u32 $0x1, v4;
	v4 =	vld [tilespmem:$0x170]  }
0x2d: {  	[tilespmem:$0x3D0] =	vst v0;
	v0 =	vshll.u32 v6, $0x1;
	v1 =	vshll.u32 v1, $0x1;
	v6 =	vld [tilespmem:$0xF0]  }
0x2e: {  	[tilespmem:$0x260] =	vst v0;
	v0 =	vor.u32 $0x1, v1;
	v1 =	vld [tilespmem:$0x1F0]  }
0x2f: {  	[tilespmem:$0x360] =	vst v0;
	v0 =	vshll.u32 v3, $0x1;
	v2 =	vshll.u32 v2, $0x1  }
0x30: {  	[tilespmem:$0x2E0] =	vst v0;
	v0 =	vor.u32 $0x1, v2  }
0x31: {  	[tilespmem:$0x3E0] =	vst v0;
	v0 =	vshll.u32 v5, $0x1;
	v2 =	vshll.u32 v4, $0x1  }
0x32: {  	[tilespmem:$0x270] =	vst v0;
	v0 =	vor.u32 $0x1, v2  }
0x33: {  	[tilespmem:$0x370] =	vst v0;
	v0 =	vshll.u32 v6, $0x1;
	v1 =	vshll.u32 v1, $0x1  }
0x34: {  	s16 =	simm.s32 $0x80;
	[tilespmem:$0x2F0] =	vst v0;
	v0 =	vor.u32 $0x1, v1  }
0x35: {  	s10 =	simm.s32 $0x200;
	s11 =	simm.s32 $0x400;
	s15 =	sadd.s32 $0xC00, s5;
	[tilespmem:$0x3F0] =	vst v0  }
0x36: {  	[tilespmem:s11], [sflag:$0x1] =	stream.indirect.gather [hbm4b:s15+s16], $0x40, s10, s16, $0xb8;
	[tilespmem:$0x8820] =	vst v63  }
0x37: {  	s17 =	simm.s32 $0x300;
	s18 =	simm.s32 $0x4400  }
0x38: {  	[tilespmem:s18], [sflag:$0x1] =	stream.indirect.gather [hbm4b:s15+s16], $0x40, s17, s16, $0xb8;
	[tilespmem:$0x8820] =	vst v63  }
0x39: {  	s19 =	simm.s32 $0x280;
	s20 =	simm.s32 $0x2400  }
0x3a: {  	[tilespmem:s20], [sflag:$0x1] =	stream.indirect.gather [hbm4b:s15+s16], $0x40, s19, s16, $0xb8;
	[tilespmem:$0x8820] =	vst v63  }
0x3b: {  	s21 =	simm.s32 $0x380;
	s22 =	simm.s32 $0x6400  }
0x3c: {  	[tilespmem:s22], [sflag:$0x1] =	stream.indirect.gather [hbm4b:s15+s16], $0x40, s21, s16, $0xb8;
	[tilespmem:$0x8820] =	vst v63  }
0x3d: {  	s24 =	simm.s32 $0x8400;
	s23 =	sadd.s32 $0x187600, s5  }
0x3e: {  	[tilespmem:s24], [sflag:$0x2] =	stream.indirect.gather [hbm4b:s23+s16], $0x1, s6, s16, $0xb8;
	[tilespmem:$0x8820] =	vst v63  }
0x3f: {  	s25 =	simm.s32 $0x8500;
	s5 =	sadd.s32 $0x18A800, s5  }
0x40: {  	[tilespmem:s25], [sflag:$0x2] =	stream.indirect.gather [hbm4b:s5+s16], $0x1, s14, s16, $0xb8;
	[tilespmem:$0x8820] =	vst v63  }
0x41: {  	s26 =	simm.s32 $0x8480  }
0x42: {  	[tilespmem:s26], [sflag:$0x2] =	stream.indirect.gather [hbm4b:s23+s16], $0x1, s16, s16, $0xb8;
	[tilespmem:$0x8820] =	vst v63  }
0x43: {  	s28 =	simm.s32 $0x180;
	s29 =	simm.s32 $0x8580;
	s30 =	simm.s32 $0x1  }
0x44: {  	[tilespmem:s29], [sflag:$0x2] =	stream.indirect.gather [hbm4b:s5+s16], $0x1, s28, s16, $0xb8;
	[tilespmem:$0x8820] =	vst v63  }
0x45: {  	_ =	swait.ge [sflag:s30], $0x2000  }
0x46: {  	[sflag:s30] =	ssyncset.done $0x0  }
0x47: {  	[sflag:s30] =	ssyncadd.s32 $0xFFFFE000  }
0x48: {  	_ =	swait.ge [sflag:s30], $0x2000  }
0x49: {  	[sflag:s30] =	ssyncset.done $0x0  }
0x4a: {  	[sflag:s30] =	ssyncadd.s32 $0xFFFFE000  }
0x4b: {  	_ =	swait.ge [sflag:s30], $0x2000  }
0x4c: {  	[sflag:s30] =	ssyncset.done $0x0  }
0x4d: {  	[sflag:s30] =	ssyncadd.s32 $0xFFFFE000  }
0x4e: {  	_ =	swait.ge [sflag:s30], $0x2000  }
0x4f: {  	[sflag:s30] =	ssyncset.done $0x0  }
0x50: {  	s31 =	simm.s32 $0x0;
	[sflag:s30] =	ssyncadd.s32 $0xFFFFE000  }
0x51: {  	v0 =	vld [tilespmem:s31+$0x430]  }
0x52: {  	v1 =	vld [tilespmem:s31+$0x4430]  }
0x53: {  	v4 =	vld [tilespmem:s31+$0x400]  }
0x54: {  	v5 =	vld [tilespmem:s31+$0x4400];
	_ =	sdelay $0x1  }
0x55: {  	v2 =	vld [tilespmem:s31+$0x410]  }
0x56: {  	v6 =	vld [tilespmem:s31+$0x4410]  }
0x57: {  	v3 =	vld [tilespmem:s31+$0x420];
	v0 =	vmul.f32 v1, v0  }
0x58: {  	s5 =	simm.s32 $0x40;
	v8 =	vld [tilespmem:s31+$0x4420];
	v1 =	vimm.f32 $0.0e+00;
	v9 =	vmul.f32 v5, v4  }
0x59: {  	s6 =	simm.s32 $0x200;
	v7 =	vld [tilespmem:s5+$0x430];
	v5 =	vimm.f32 $0.0e+00;
	v4 =	vimm.f32 $0.0e+00;
	v0 =	vadd.f32 v0, v1  }
.LBB2_1:
0x5a: {  	p0 =	sne.s32 s6, $0xFF00;
	v10 =	vld [tilespmem:s5+$0x4430]  }
0x5b: {  	v11 =	vld [tilespmem:s5+$0x400];
	v1 =	vadd.f32 v9, v1;
	v6 =	vmul.f32 v6, v2  }
0x5c: {  	v9 =	vld [tilespmem:s5+$0x4400]  }
.Ltmp0:
0x5d: {  	v2 =	vld [tilespmem:s5+$0x410];
	v5 =	vadd.f32 v6, v5;
	v8 =	vmul.f32 v8, v3;
	(pc) =	sbr.rel @p0 .LBB2_1-.Ltmp0, $4  }
0x5e: {  	v6 =	vld [tilespmem:s5+$0x4410]  }
0x5f: {  	v3 =	vld [tilespmem:s5+$0x420];
	v10 =	vmul.f32 v10, v7;
	v4 =	vadd.f32 v8, v4  }
0x60: {  	v8 =	vld [tilespmem:s5+$0x4420];
	s5 =	sshra.s32 s6, $0x2  }
0x61: {  	s6 =	sadd.s32 $0x100, s6;
	v7 =	vld [tilespmem:s5+$0x430];
	v9 =	vmul.f32 v9, v11;
	v0 =	vadd.f32 v10, v0  }
0x62: {  	v10 =	vld [tilespmem:s5+$0x4430]  }
0x63: {  	v11 =	vld [tilespmem:s5+$0x400]  }
0x64: {  	v12 =	vld [tilespmem:s5+$0x4400]  }
0x65: {  	v13 =	vld [tilespmem:s5+$0x410]  }
0x66: {  	v14 =	vld [tilespmem:s5+$0x4410]  }
0x67: {  	v15 =	vld [tilespmem:s5+$0x420]  }
0x68: {  	v16 =	vld [tilespmem:s5+$0x4420];
	_ =	sdelay $0x1  }
0x69: {  	v2 =	vmul.f32 v6, v2  }
0x6a: {  	v1 =	vadd.f32 v9, v1;
	v3 =	vmul.f32 v8, v3  }
0x6b: {  	v2 =	vadd.f32 v2, v5;
	v5 =	vmul.f32 v10, v7;
	v6 =	vmul.f32 v12, v11  }
0x6c: {  	v3 =	vadd.f32 v3, v4;
	v4 =	vmul.f32 v14, v13;
	v7 =	vmul.f32 v16, v15  }
0x6d: {  	v0 =	vadd.f32 v5, v0;
	v1 =	vadd.f32 v6, v1  }
0x6e: {  	v2 =	vadd.f32 v4, v2;
	v3 =	vadd.f32 v7, v3;
	_ =	sdelay $0x1  }
0x6f: {  	v1 =	vadd.f32 v2, v1;
	v0 =	vadd.f32 v0, v3;
	_ =	sdelay $0x1  }
0x70: {  	v0 =	vadd.f32 v0, v1  }
0x71: {  	s28 =	sshll.u32 s1, $0x4  }
0x72: {  	s6 =	simm.s32 $0x8600;
	s29 =	simm.s32 $0x3;
	s5 =	sadd.s32 s28, s4;
	[tilespmem:$0x8600] =	vst v0  }
0x73: {  	[spmem:s5] =	stream.linear.scatter [tilespmem:s6], [sflag:$0x3], $0x10, $0x38;
	[tilespmem:$0x8820] =	vst v63  }
0x74: {  	_ =	swait.ge [sflag:s29], $0x10  }
0x75: {  	[sflag:s29] =	ssyncset.done $0x0  }
0x76: {  	[sflag:s29] =	ssyncadd.s32 $0xFFFFFFF0  }
0x77: {  	s30 =	simm.s32 $0x8610;
	[bflag:$0x0] =	sbarrier.arrive $0xFFFF  }
0x78: {  	[tilespmem:s30], [sflag:$0x3] =	stream.linear.gather [spmem:s4], $0x100, $0x38;
	[tilespmem:$0x8820] =	vst v63  }
0x79: {  	_ =	swait.ge [sflag:s29], $0x100  }
0x7a: {  	[sflag:s29] =	ssyncset.done $0x0  }
0x7b: {  	[sflag:s29] =	ssyncadd.s32 $0xFFFFFF00  }
0x7c: {  	v0 =	vld [tilespmem:$0x8610]  }
0x7d: {  	v1 =	vld [tilespmem:$0x8620];
	_ =	sdelay $0x1  }
0x7e: {  	v2 =	vld [tilespmem:$0x8630];
	_ =	sdelay $0x1  }
0x7f: {  	v3 =	vld [tilespmem:$0x8640]  }
0x80: {  	v0 =	vadd.f32 v1, v0  }
0x81: {  	v1 =	vld [tilespmem:$0x8650]  }
0x82: {  	v0 =	vadd.f32 v2, v0  }
0x83: {  	v2 =	vld [tilespmem:$0x8660]  }
0x84: {  	v0 =	vadd.f32 v3, v0  }
0x85: {  	v3 =	vld [tilespmem:$0x8670]  }
0x86: {  	v0 =	vadd.f32 v1, v0  }
0x87: {  	v1 =	vld [tilespmem:$0x8680]  }
0x88: {  	v0 =	vadd.f32 v2, v0  }
0x89: {  	v2 =	vld [tilespmem:$0x8690]  }
0x8a: {  	v0 =	vadd.f32 v3, v0  }
0x8b: {  	v3 =	vld [tilespmem:$0x86A0]  }
0x8c: {  	v0 =	vadd.f32 v1, v0  }
0x8d: {  	v1 =	vld [tilespmem:$0x86B0]  }
0x8e: {  	v0 =	vadd.f32 v2, v0  }
0x8f: {  	v2 =	vld [tilespmem:$0x86C0]  }
0x90: {  	v0 =	vadd.f32 v3, v0  }
0x91: {  	v3 =	vld [tilespmem:$0x86D0]  }
0x92: {  	v0 =	vadd.f32 v1, v0  }
0x93: {  	v1 =	vld [tilespmem:$0x86E0]  }
0x94: {  	v0 =	vadd.f32 v2, v0  }
0x95: {  	v2 =	vld [tilespmem:$0x86F0]  }
0x96: {  	v0 =	vadd.f32 v3, v0  }
0x97: {  	v4 =	vimm.s32 $0xFEDCBA98;
	v3 =	vld [tilespmem:$0x8700]  }
0x98: {  	v4 =	vunpack.c.l.s4.s8 v4;
	v0 =	vadd.f32 v1, v0;
	v1 =	vimm.s32 $0x76543210  }
0x99: {  	v1 =	vunpack.c.l.s4.s8 v1  }
0x9a: {  	v0 =	vadd.f32 v2, v0;
	v2 =	vunpack.c.0.s8.s32 v4  }
0x9b: {  	v1 =	vunpack.c.0.s8.s32 v1  }
0x9c: {  	v0 =	vadd.f32 v3, v0;
	v2 =	vand.u32 $0xF, v2  }
0x9d: {  	v3 =	vimm.s32 $0x32107654;
	v1 =	vcombine.low v2, v1;
	v2 =	vimm.s32 $0xBA98FEDC  }
0x9e: {  	v3 =	vunpack.c.l.s4.s8 v3;
	v2 =	vunpack.c.l.s4.s8 v2  }
0x9f: {  	s31 =	simm.s32 $0x2;
	v1 =	vperm.xlane v0, v1  }
0xa0: {  	_ =	swait.ge [sflag:s31], $0x80;
	v3 =	vunpack.c.0.s8.s32 v3;
	v2 =	vunpack.c.0.s8.s32 v2  }
0xa1: {  	[sflag:s31] =	ssyncset.done $0x0;
	v0 =	vadd.f32 v1, v0  }
0xa2: {  	[sflag:s31] =	ssyncadd.s32 $0xFFFFFF80;
	v1 =	vcombine.low v3, v2;
	v2 =	vimm.s32 $0xDCFE98BA;
	v3 =	vimm.s32 $0x54761032  }
0xa3: {  	_ =	swait.ge [sflag:s31], $0x80;
	v2 =	vunpack.c.l.s4.s8 v2;
	v3 =	vunpack.c.l.s4.s8 v3  }
0xa4: {  	[sflag:s31] =	ssyncset.done $0x0;
	v1 =	vperm.xlane v0, v1  }
0xa5: {  	[sflag:s31] =	ssyncadd.s32 $0xFFFFFF80;
	v2 =	vunpack.c.0.s8.s32 v2;
	v3 =	vunpack.c.0.s8.s32 v3  }
0xa6: {  	v4 =	vimm.s32 $0x67452301;
	_ =	swait.ge [sflag:s31], $0x80;
	v0 =	vadd.f32 v1, v0;
	v1 =	vimm.s32 $0xEFCDAB89  }
0xa7: {  	[sflag:s31] =	ssyncset.done $0x0;
	v2 =	vcombine.low v3, v2;
	v1 =	vunpack.c.l.s4.s8 v1;
	v3 =	vunpack.c.l.s4.s8 v4  }
0xa8: {  	[sflag:s31] =	ssyncadd.s32 $0xFFFFFF80  }
0xa9: {  	_ =	swait.ge [sflag:s31], $0x80;
	v2 =	vperm.xlane v0, v2;
	v1 =	vunpack.c.0.s8.s32 v1;
	v3 =	vunpack.c.0.s8.s32 v3  }
0xaa: {  	[sflag:s31] =	ssyncset.done $0x0  }
0xab: {  	s4 =	simm.s32 $0x0;
	[sflag:s31] =	ssyncadd.s32 $0xFFFFFF80;
	v0 =	vadd.f32 v2, v0;
	v1 =	vcombine.low v3, v1  }
0xac: {  	v2 =	vld [tilespmem:s4+$0x8400]  }
0xad: {  	v1 =	vperm.xlane v0, v1  }
0xae: {  	v3 =	vld [tilespmem:s4+$0x8500]  }
0xaf: {  	s5 =	simm.s32 $0x10;
	v0 =	vadd.f32 v1, v0  }
0xb0: {  	v4 =	vld [tilespmem:s5+$0x8400]  }
0xb1: {  	s6 =	simm.s32 $0x20;
	v2 =	vadd.f32 v2, v0  }
0xb2: {  	v5 =	vld [tilespmem:s6+$0x8400]  }
0xb3: {  	v1 =	vld [tilespmem:s5+$0x8500];
	v2 =	vadd.f32 v3, v2;
	_ =	sdelay $0x1  }
0xb4: {  	v3 =	vadd.f32 v4, v0;
	v4 =	vld [tilespmem:s6+$0x8500];
	v2 =	vsub.f32 $0.0e+00, v2;
	_ =	sdelay $0x1  }
0xb5: {  	v2 =	vmul.f32 $1.442695020e+00, v2  }
0xb6: {  	v1 =	vadd.f32 v1, v3;
	v3 =	vadd.f32 v5, v0  }
0xb7: {  	(erf) = vpow2.f32 v2  }
0xb8: {  	v1 =	vsub.f32 $0.0e+00, v1;
	v3 =	vadd.f32 v4, v3  }
0xb9: {  	s7 =	simm.s32 $0x30  }
0xba: {  	v1 =	vmul.f32 $1.442695020e+00, v1;
	v2 =	vld [tilespmem:s7+$0x8400];
	v3 =	vsub.f32 $0.0e+00, v3;
	_ =	sdelay $0x1  }
0xbb: {  	(erf) = vpow2.f32 v1;
	v1 =	vld [tilespmem:s7+$0x8500];
	v3 =	vmul.f32 $1.442695020e+00, v3;
	_ =	sdelay $0x2  }
0xbc: {  	v2 =	vadd.f32 v2, v0  }
0xbd: {  	s8 =	simm.s32 $0x40;
	(erf) = vpow2.f32 v3;
	v3 =	vpop (erf)  }
0xbe: {  	v4 =	vld [tilespmem:s8+$0x8400];
	v1 =	vadd.f32 v1, v2;
	v3 =	vadd.f32 $1.000000000e+00, v3;
	_ =	sdelay $0x1  }
0xbf: {  	v2 =	vld [tilespmem:s8+$0x8500];
	v1 =	vsub.f32 $0.0e+00, v1;
	(erf) = vrcp.f32 v3;
	_ =	sdelay $0x1  }
0xc0: {  	v5 =	vpop (erf);
	v6 =	vmul.f32 $1.442695020e+00, v1  }
0xc1: {  	s9 =	simm.s32 $0x50;
	v4 =	vadd.f32 v4, v0;
	v3 =	vadd.f32 $1.000000000e+00, v5  }
0xc2: {  	v1 =	vld [tilespmem:s9+$0x8400];
	(erf) = vpow2.f32 v6  }
0xc3: {  	v4 =	vadd.f32 v2, v4;
	(erf) = vrcp.f32 v3  }
0xc4: {  	v2 =	vld [tilespmem:s9+$0x8500]  }
0xc5: {  	v4 =	vsub.f32 $0.0e+00, v4  }
0xc6: {  	s10 =	simm.s32 $0x180;
	v3 =	vpop (erf)  }
.LBB2_3:
0xc7: {  	s11 =	sshra.s32 s10, $0x2;
	v5 =	vadd.f32 v1, v0;
	v4 =	vmul.f32 $1.442695020e+00, v4;
	v6 =	vpop (erf);
	p0 =	sne.s32 s10, $0x3C0  }
.Ltmp1:
0xc8: {  	s10 =	sadd.s32 $0x40, s10;
	v3 =	vadd.f32 $1.000000000e+00, v3;
	v1 =	vld [tilespmem:s11+$0x8400];
	[tilespmem:s4+$0x8710] =	vst v6;
	(pc) =	sbr.rel @p0 .LBB2_3-.Ltmp1, $4  }
0xc9: {  	s4 =	smov.u32 s5;
	s5 =	smov.u32 s6;
	s6 =	smov.u32 s7;
	v5 =	vadd.f32 v2, v5;
	(erf) = vpow2.f32 v4  }
0xca: {  	s7 =	smov.u32 s8;
	s8 =	smov.u32 s9;
	s9 =	smov.u32 s11;
	v2 =	vld [tilespmem:s11+$0x8500];
	(erf) = vrcp.f32 v3  }
0xcb: {  	v4 =	vsub.f32 $0.0e+00, v5  }
0xcc: {  	v3 =	vpop (erf)  }
0xcd: {  	v0 =	vadd.f32 v1, v0;
	_ =	sdelay $0x1  }
0xce: {  	v0 =	vadd.f32 v2, v0;
	_ =	sdelay $0x1  }
0xcf: {  	v53 =	vmul.f32 $1.442695020e+00, v4;
	v0 =	vsub.f32 $0.0e+00, v0  }
0xd0: {  	v54 =	vadd.f32 $1.000000000e+00, v3  }
0xd1: {  	(erf) = vpow2.f32 v53;
	v0 =	vmul.f32 $1.442695020e+00, v0  }
0xd2: {  	(erf) = vrcp.f32 v54  }
0xd3: {  	(erf) = vpow2.f32 v0;
	_ =	sdelay $0x3  }
0xd4: {  	v55 =	vpop (erf)  }
0xd5: {  	v56 =	vpop (erf)  }
0xd6: {  	v57 =	vpop (erf)  }
0xd7: {  	v58 =	vpop (erf)  }
0xd8: {  	v1 =	vadd.f32 $1.000000000e+00, v56;
	v59 =	vpop (erf)  }
0xd9: {  	v3 =	vadd.f32 $1.000000000e+00, v58;
	v5 =	vpop (erf)  }
0xda: {  	(erf) = vrcp.f32 v1;
	v60 =	vadd.f32 $1.000000000e+00, v5  }
0xdb: {  	(erf) = vrcp.f32 v3  }
0xdc: {  	(erf) = vrcp.f32 v60;
	_ =	sdelay $0x4  }
0xdd: {  	[tilespmem:s4+$0x8710] =	vst v55  }
0xde: {  	[tilespmem:s5+$0x8710] =	vst v57  }
0xdf: {  	[tilespmem:s6+$0x8710] =	vst v59;
	v61 =	vpop (erf)  }
0xe0: {  	[tilespmem:s7+$0x8710] =	vst v61;
	v62 =	vpop (erf)  }
0xe1: {  	s2 =	sadd.s32 s2, s3;
	[tilespmem:s8+$0x8710] =	vst v62;
	v63 =	vpop (erf)  }
0xe2: {  	s29 =	simm.s32 $0x0;
	s30 =	simm.s32 $0x8710;
	s31 =	simm.s32 $0x3;
	[tilespmem:s9+$0x8710] =	vst v63  }
0xe3: {  	[hbm4b:s2+s29] =	stream.linear.scatter [tilespmem:s30], [sflag:$0x3], $0x100, $0x38;
	[tilespmem:$0x8820] =	vst v63  }
0xe4: {  	_ =	swait.ge [sflag:s31], $0x100  }
0xe5: {  	[sflag:s31] =	ssyncset.done $0x0  }
0xe6: {  	[sflag:s31] =	ssyncadd.s32 $0xFFFFFF00  }
0xe7: {  	_ =	sfence.sel $0x180000  }
0xe8: {  	[bflag:$0x0] =	sbarrier.arrive $0xFFFF  }
0xe9: {  	p0 =	sne.s32 s1, $0x0;
	_ =	strace $0x90000047  }
0xea: {  	s0 =	sadd.s32 @!p0 $0x100000, s0;
	[bflag:$0x2] =	sbarrier.arrive $0xFFFF  }
0xeb: {  	[sflag:s0] =	ssyncadd.tile.s32 @!p0 $0x1;
	_ =	shalt  }
.Lfunc_end2:
_tile_overlayer_lowered:
.L_overlay_start_2:
0xec: {  	(tag) =	ssettag $0x2  }
0xed: {  	s0 =	rddreg [dreg:$0x0];
	s2 =	stileid.u32  }
0xee: {  	s1 =	rddreg [dreg:$0x1];
	p0 =	sne.s32 s2, $0x0  }
0xef: {  	s3 =	rddreg [dreg:$0x2];
	[bflag:$0x3] =	sbarrier.arrive $0xFFFF;
	s2 =	simm.s32 @!p0 $0x1C03  }
0xf0: {  	[timem:s3], [sflag:s2] =	dma.local @!p0 [hbm:s0], s1  }
0xf1: {  	s0 =	simm.s32 @!p0 $0x3  }
0xf2: {  	_ =	swait.ge @!p0 [sflag:s0], s1  }
0xf3: {  	s1 =	ssub.s32 @!p0 $0x0, s1;
	[sflag:s0] =	ssyncset.done @!p0 $0x0  }
0xf4: {  	[sflag:s0] =	ssyncadd.s32 @!p0 s1  }
0xf5: {  	[bflag:$0x3] =	sbarrier.arrive $0xFFFF  }
0xf6: {  	_ =	shalt  }

</sc_bundles>
